<compile_context>
chip_gen: v7x
topology: tpu7x:2x2x1
jax: 0.10.2.dev20260603
libtpu: 0.0.44.dev20260713+nightly
codegen_flags: <defaults>
</compile_context>

<pallas_src>
import functools

import jax
import jax.numpy as jnp
from jax import lax
from jax.experimental import pallas as pl
from jax.experimental.pallas import tpu as pltpu
from jax.experimental.pallas import tpu_sc as plsc

BATCH = 16384
HIST = 50
EMB = 128
B_TOTAL = BATCH * HIST
G = 128
NC = 2
NS = 16
NW = NC * NS
B_PER_W = B_TOTAL // NW
N_CHUNKS = B_PER_W // G
NBUF = 5
S_OUTER = N_CHUNKS // NBUF


@functools.partial(
    pl.kernel,
    out_type=jax.ShapeDtypeStruct((B_TOTAL, EMB), jnp.float32),
    mesh=plsc.VectorSubcoreMesh(core_axis_name="c", subcore_axis_name="s"),
    scratch_types=[
        pltpu.VMEM((B_PER_W,), jnp.int32),
        pltpu.VMEM((NBUF, G, EMB), jnp.float32),
        pltpu.SemaphoreType.DMA((NBUF,)),
        pltpu.SemaphoreType.DMA((NBUF,)),
    ],
)
def _gather_kernel(idx_hbm, table_hbm, out_hbm, idx_v, rows_v, gsem, osem):
  wid = lax.axis_index("s") * NC + lax.axis_index("c")
  base = wid * B_PER_W

  def fire_gather(j, b):
    pltpu.async_copy(table_hbm.at[idx_v.at[pl.ds(j * G, G)]],
                     rows_v.at[b], gsem.at[b])

  def drain_out(b):
    pltpu.make_async_copy(
        out_hbm.at[pl.ds(base, G)], rows_v.at[b], osem.at[b]).wait()

  pltpu.sync_copy(idx_hbm.at[pl.ds(base, B_PER_W)], idx_v)

  for j in range(NBUF - 1):
    fire_gather(j, j)

  def outer(s, carry):
    for b in range(NBUF):
      i = s * NBUF + b
      pltpu.make_async_copy(
          table_hbm.at[idx_v.at[pl.ds(0, G)]], rows_v.at[b], gsem.at[b]).wait()
      pltpu.async_copy(
          rows_v.at[b], out_hbm.at[pl.ds(base + i * G, G)], osem.at[b])
      bn = (b + NBUF - 1) % NBUF
      if b == 0:
        @pl.when(s > 0)
        def _():
          drain_out(bn)
        fire_gather(i + NBUF - 1, bn)
      else:
        @pl.when(s < S_OUTER - 1)
        def _():
          drain_out(bn)
          fire_gather(i + NBUF - 1, bn)
    return carry

  lax.fori_loop(0, S_OUTER, outer, 0)

  for b in range(NBUF):
    drain_out(b)


def kernel(input_, weight):
  idx = input_.T.reshape(B_TOTAL).astype(jnp.int32)
  out = _gather_kernel(idx, weight)
  return out.reshape(HIST, BATCH, EMB).transpose(1, 0, 2)

# --- scband reference (transcript-rebuilt; emitter-appended) ---
"""Pipeline reference for scband-parallel-vocab-embedding-11922829214190 (READ-ONLY COPY).

The authoritative reference and input builder live on the scoring server;
editing this copy changes nothing except your own understanding.
"""

import jax, jax.numpy as jnp
import numpy as np

VOCAB = 100000
PAD = 64
VOCAB_PADDED = (VOCAB + PAD - 1) // PAD * PAD  # 100032
EMB_DIM = 128
BATCH = 16384
HIST = 50


def setup_inputs(seed: int = 0) -> dict:
    key = jax.random.key(seed)
    k1, k2 = jax.random.split(key)
    input_ = jax.random.randint(k1, (BATCH, HIST), 0, VOCAB, dtype=jnp.int64 if jax.config.jax_enable_x64 else jnp.int32)
    weight = jax.random.normal(k2, (VOCAB_PADDED, EMB_DIM), dtype=jnp.float32) * 0.02
    return {"input_": input_, "weight": weight}


def reference(input_, weight):
    # tp_size == 1 path: plain embedding lookup (gather rows of the table)
    output = jnp.take(weight, input_, axis=0)
    # tensor_model_parallel_all_reduce is identity at world_size == 1
    return output

if __name__ == "__main__":
    import jax
    _d = setup_inputs()
    print(jax.jit(kernel)(*tuple(_d.values())))

</pallas_src>

<mosaic_0001>
#map = affine_map<(d0, d1) -> (0)>
#map1 = affine_map<(d0, d1) -> (0, 0)>
module attributes {stable_mosaic.version = 14 : i64} {
  func.func @_gather_kernel(%arg0: i32, %arg1: i32, %arg2: memref<819200xi32, #tpu.memory_space<hbm>>, %arg3: memref<100032x128xf32, #tpu.memory_space<hbm>>, %arg4: memref<819200x128xf32, #tpu.memory_space<hbm>>, %arg5: memref<25600xi32, #tpu.memory_space<vmem>>, %arg6: memref<5x128x128xf32, #tpu.memory_space<vmem>>, %arg7: memref<5x!tpu.dma_semaphore, #tpu.memory_space<semaphore_mem>>, %arg8: memref<5x!tpu.dma_semaphore, #tpu.memory_space<semaphore_mem>>) attributes {dimension_semantics = [#tpu.dimension_semantics<core_parallel>, #tpu.dimension_semantics<subcore_parallel>], iteration_bounds = array<i64: 2, 16>, scalar_prefetch = 0 : i64, scratch_operands = 4 : i64, tpu.core_type = #tpu.core_type<sc_vector_subcore>, window_params = [{transform_indices = #map}, {transform_indices = #map1}, {transform_indices = #map1}]} {
    %mul3A = arith.constant 2 : i32
    %mul3A_0 = arith.muli %arg1, %mul3A : i32
    %add3A = arith.addi %mul3A_0, %arg0 : i32
    %mul3A_1 = arith.constant 25600 : i32
    %mul3A_2 = arith.muli %add3A, %mul3A_1 : i32
    "tpu.region"() ({
      %run_scoped3A = tpu.sem_alloc : memref<!tpu.dma_semaphore, #tpu.memory_space<semaphore_mem>>
      %dma_start3A_138 = tpu.memref_slice %arg2[%mul3A_2] : memref<819200xi32, #tpu.memory_space<hbm>> -> memref<25600xi32, #tpu.memory_space<hbm>>
      %dma_start3A_139 = tpu.memref_slice %arg2[%mul3A_2] : memref<819200xi32, #tpu.memory_space<hbm>> -> memref<25600xi32, #tpu.memory_space<hbm>>
      tpu.enqueue_dma source(%dma_start3A_139 : memref<25600xi32, #tpu.memory_space<hbm>>) target(%arg5 : memref<25600xi32, #tpu.memory_space<vmem>>) target_semaphore(%run_scoped3A : memref<!tpu.dma_semaphore, #tpu.memory_space<semaphore_mem>>)
      %dma_wait3A_140 = tpu.memref_slice %arg2[%mul3A_2] : memref<819200xi32, #tpu.memory_space<hbm>> -> memref<25600xi32, #tpu.memory_space<hbm>>
      %dma_wait3A_141 = tpu.memref_slice %arg2[%mul3A_2] : memref<819200xi32, #tpu.memory_space<hbm>> -> memref<25600xi32, #tpu.memory_space<hbm>>
      tpu.wait_dma2 semaphore(%run_scoped3A : memref<!tpu.dma_semaphore, #tpu.memory_space<semaphore_mem>>) src(%dma_wait3A_141 : memref<25600xi32, #tpu.memory_space<hbm>>) dst(%arg5 : memref<25600xi32, #tpu.memory_space<vmem>>)
      tpu.yield
    }) : () -> ()
    %dma_start3A = arith.constant 0 : i32
    %dma_start3A_3 = arith.constant 0 : i32
    %dma_start3A_4 = arith.constant 0 : i32
    %dma_start3A_5 = arith.constant 0 : i32
    %dma_start3A_6 = tpu.memref_slice %arg6[%dma_start3A, %dma_start3A_4, %dma_start3A_5] : memref<5x128x128xf32, #tpu.memory_space<vmem>> -> memref<1x128x128xf32, #tpu.memory_space<vmem>>
    %dma_start3A_7 = tpu.memref_squeeze %dma_start3A_6 : memref<1x128x128xf32, #tpu.memory_space<vmem>> -> memref<128x128xf32, #tpu.memory_space<vmem>>
    %dma_start3A_8 = arith.constant 0 : i32
    %dma_start3A_9 = tpu.memref_slice %arg5[%dma_start3A_8] : memref<25600xi32, #tpu.memory_space<vmem>> -> memref<128xi32, #tpu.memory_space<vmem>>
    %dma_start3A_10 = arith.constant 0 : i32
    %dma_start3A_11 = arith.constant 0 : i32
    %dma_start3A_12 = tpu.memref_slice %arg3[%dma_start3A_10, %dma_start3A_11] : memref<100032x128xf32, #tpu.memory_space<hbm>> -> memref<100032x128xf32, #tpu.memory_space<hbm>>
    %dma_start3A_13 = tpu.memref_slice %arg7[%dma_start3A_3] : memref<5x!tpu.dma_semaphore, #tpu.memory_space<semaphore_mem>> -> memref<1x!tpu.dma_semaphore, #tpu.memory_space<semaphore_mem>>
    %dma_start3A_14 = tpu.memref_squeeze %dma_start3A_13 : memref<1x!tpu.dma_semaphore, #tpu.memory_space<semaphore_mem>> -> memref<!tpu.dma_semaphore, #tpu.memory_space<semaphore_mem>>
    tpu.enqueue_indirect_dma source(%dma_start3A_12 : memref<100032x128xf32, #tpu.memory_space<hbm>>) target(%dma_start3A_7 : memref<128x128xf32, #tpu.memory_space<vmem>>) offsets(%dma_start3A_9 : memref<128xi32, #tpu.memory_space<vmem>>) semaphore(%dma_start3A_14 : memref<!tpu.dma_semaphore, #tpu.memory_space<semaphore_mem>>)
    %dma_start3A_15 = arith.constant 1 : i32
    %dma_start3A_16 = arith.constant 1 : i32
    %dma_start3A_17 = arith.constant 0 : i32
    %dma_start3A_18 = arith.constant 0 : i32
    %dma_start3A_19 = tpu.memref_slice %arg6[%dma_start3A_15, %dma_start3A_17, %dma_start3A_18] : memref<5x128x128xf32, #tpu.memory_space<vmem>> -> memref<1x128x128xf32, #tpu.memory_space<vmem>>
    %dma_start3A_20 = tpu.memref_squeeze %dma_start3A_19 : memref<1x128x128xf32, #tpu.memory_space<vmem>> -> memref<128x128xf32, #tpu.memory_space<vmem>>
    %dma_start3A_21 = arith.constant 128 : i32
    %dma_start3A_22 = tpu.memref_slice %arg5[%dma_start3A_21] : memref<25600xi32, #tpu.memory_space<vmem>> -> memref<128xi32, #tpu.memory_space<vmem>>
    %dma_start3A_23 = arith.constant 0 : i32
    %dma_start3A_24 = arith.constant 0 : i32
    %dma_start3A_25 = tpu.memref_slice %arg3[%dma_start3A_23, %dma_start3A_24] : memref<100032x128xf32, #tpu.memory_space<hbm>> -> memref<100032x128xf32, #tpu.memory_space<hbm>>
    %dma_start3A_26 = tpu.memref_slice %arg7[%dma_start3A_16] : memref<5x!tpu.dma_semaphore, #tpu.memory_space<semaphore_mem>> -> memref<1x!tpu.dma_semaphore, #tpu.memory_space<semaphore_mem>>
    %dma_start3A_27 = tpu.memref_squeeze %dma_start3A_26 : memref<1x!tpu.dma_semaphore, #tpu.memory_space<semaphore_mem>> -> memref<!tpu.dma_semaphore, #tpu.memory_space<semaphore_mem>>
    tpu.enqueue_indirect_dma source(%dma_start3A_25 : memref<100032x128xf32, #tpu.memory_space<hbm>>) target(%dma_start3A_20 : memref<128x128xf32, #tpu.memory_space<vmem>>) offsets(%dma_start3A_22 : memref<128xi32, #tpu.memory_space<vmem>>) semaphore(%dma_start3A_27 : memref<!tpu.dma_semaphore, #tpu.memory_space<semaphore_mem>>)
    %dma_start3A_28 = arith.constant 2 : i32
    %dma_start3A_29 = arith.constant 2 : i32
    %dma_start3A_30 = arith.constant 0 : i32
    %dma_start3A_31 = arith.constant 0 : i32
    %dma_start3A_32 = tpu.memref_slice %arg6[%dma_start3A_28, %dma_start3A_30, %dma_start3A_31] : memref<5x128x128xf32, #tpu.memory_space<vmem>> -> memref<1x128x128xf32, #tpu.memory_space<vmem>>
    %dma_start3A_33 = tpu.memref_squeeze %dma_start3A_32 : memref<1x128x128xf32, #tpu.memory_space<vmem>> -> memref<128x128xf32, #tpu.memory_space<vmem>>
    %dma_start3A_34 = arith.constant 256 : i32
    %dma_start3A_35 = tpu.memref_slice %arg5[%dma_start3A_34] : memref<25600xi32, #tpu.memory_space<vmem>> -> memref<128xi32, #tpu.memory_space<vmem>>
    %dma_start3A_36 = arith.constant 0 : i32
    %dma_start3A_37 = arith.constant 0 : i32
    %dma_start3A_38 = tpu.memref_slice %arg3[%dma_start3A_36, %dma_start3A_37] : memref<100032x128xf32, #tpu.memory_space<hbm>> -> memref<100032x128xf32, #tpu.memory_space<hbm>>
    %dma_start3A_39 = tpu.memref_slice %arg7[%dma_start3A_29] : memref<5x!tpu.dma_semaphore, #tpu.memory_space<semaphore_mem>> -> memref<1x!tpu.dma_semaphore, #tpu.memory_space<semaphore_mem>>
    %dma_start3A_40 = tpu.memref_squeeze %dma_start3A_39 : memref<1x!tpu.dma_semaphore, #tpu.memory_space<semaphore_mem>> -> memref<!tpu.dma_semaphore, #tpu.memory_space<semaphore_mem>>
    tpu.enqueue_indirect_dma source(%dma_start3A_38 : memref<100032x128xf32, #tpu.memory_space<hbm>>) target(%dma_start3A_33 : memref<128x128xf32, #tpu.memory_space<vmem>>) offsets(%dma_start3A_35 : memref<128xi32, #tpu.memory_space<vmem>>) semaphore(%dma_start3A_40 : memref<!tpu.dma_semaphore, #tpu.memory_space<semaphore_mem>>)
    %dma_start3A_41 = arith.constant 3 : i32
    %dma_start3A_42 = arith.constant 3 : i32
    %dma_start3A_43 = arith.constant 0 : i32
    %dma_start3A_44 = arith.constant 0 : i32
    %dma_start3A_45 = tpu.memref_slice %arg6[%dma_start3A_41, %dma_start3A_43, %dma_start3A_44] : memref<5x128x128xf32, #tpu.memory_space<vmem>> -> memref<1x128x128xf32, #tpu.memory_space<vmem>>
    %dma_start3A_46 = tpu.memref_squeeze %dma_start3A_45 : memref<1x128x128xf32, #tpu.memory_space<vmem>> -> memref<128x128xf32, #tpu.memory_space<vmem>>
    %dma_start3A_47 = arith.constant 384 : i32
    %dma_start3A_48 = tpu.memref_slice %arg5[%dma_start3A_47] : memref<25600xi32, #tpu.memory_space<vmem>> -> memref<128xi32, #tpu.memory_space<vmem>>
    %dma_start3A_49 = arith.constant 0 : i32
    %dma_start3A_50 = arith.constant 0 : i32
    %dma_start3A_51 = tpu.memref_slice %arg3[%dma_start3A_49, %dma_start3A_50] : memref<100032x128xf32, #tpu.memory_space<hbm>> -> memref<100032x128xf32, #tpu.memory_space<hbm>>
    %dma_start3A_52 = tpu.memref_slice %arg7[%dma_start3A_42] : memref<5x!tpu.dma_semaphore, #tpu.memory_space<semaphore_mem>> -> memref<1x!tpu.dma_semaphore, #tpu.memory_space<semaphore_mem>>
    %dma_start3A_53 = tpu.memref_squeeze %dma_start3A_52 : memref<1x!tpu.dma_semaphore, #tpu.memory_space<semaphore_mem>> -> memref<!tpu.dma_semaphore, #tpu.memory_space<semaphore_mem>>
    tpu.enqueue_indirect_dma source(%dma_start3A_51 : memref<100032x128xf32, #tpu.memory_space<hbm>>) target(%dma_start3A_46 : memref<128x128xf32, #tpu.memory_space<vmem>>) offsets(%dma_start3A_48 : memref<128xi32, #tpu.memory_space<vmem>>) semaphore(%dma_start3A_53 : memref<!tpu.dma_semaphore, #tpu.memory_space<semaphore_mem>>)
    %scan3A = arith.constant 0 : i32
    %scan3A_54 = arith.constant 0 : i32
    %scan3A_55 = arith.constant 40 : i32
    %scan3A_56 = arith.addi %scan3A_54, %scan3A_55 : i32
    %scan3A_57 = arith.constant 1 : i32
    scf.for %scan3A_138 = %scan3A_54 to %scan3A_56 step %scan3A_57  : i32 {
      %mul3A_139 = arith.constant 5 : i32
      %mul3A_140 = arith.muli %scan3A_138, %mul3A_139 : i32
      %add3A_141 = arith.constant 0 : i32
      %add3A_142 = arith.addi %mul3A_140, %add3A_141 : i32
      %dma_wait3A_143 = arith.constant 0 : i32
      %dma_wait3A_144 = arith.constant 0 : i32
      %dma_wait3A_145 = arith.constant 0 : i32
      %dma_wait3A_146 = arith.constant 0 : i32
      %dma_wait3A_147 = tpu.memref_slice %arg6[%dma_wait3A_143, %dma_wait3A_145, %dma_wait3A_146] : memref<5x128x128xf32, #tpu.memory_space<vmem>> -> memref<1x128x128xf32, #tpu.memory_space<vmem>>
      %dma_wait3A_148 = tpu.memref_squeeze %dma_wait3A_147 : memref<1x128x128xf32, #tpu.memory_space<vmem>> -> memref<128x128xf32, #tpu.memory_space<vmem>>
      %dma_wait3A_149 = arith.constant 0 : i32
      %dma_wait3A_150 = tpu.memref_slice %arg5[%dma_wait3A_149] : memref<25600xi32, #tpu.memory_space<vmem>> -> memref<128xi32, #tpu.memory_space<vmem>>
      %dma_wait3A_151 = arith.constant 0 : i32
      %dma_wait3A_152 = arith.constant 0 : i32
      %dma_wait3A_153 = tpu.memref_slice %arg3[%dma_wait3A_151, %dma_wait3A_152] : memref<100032x128xf32, #tpu.memory_space<hbm>> -> memref<100032x128xf32, #tpu.memory_space<hbm>>
      %dma_wait3A_154 = tpu.memref_slice %arg7[%dma_wait3A_144] : memref<5x!tpu.dma_semaphore, #tpu.memory_space<semaphore_mem>> -> memref<1x!tpu.dma_semaphore, #tpu.memory_space<semaphore_mem>>
      %dma_wait3A_155 = tpu.memref_squeeze %dma_wait3A_154 : memref<1x!tpu.dma_semaphore, #tpu.memory_space<semaphore_mem>> -> memref<!tpu.dma_semaphore, #tpu.memory_space<semaphore_mem>>
      tpu.wait_indirect_dma semaphore(%dma_wait3A_155 : memref<!tpu.dma_semaphore, #tpu.memory_space<semaphore_mem>>) src(%dma_wait3A_153 : memref<100032x128xf32, #tpu.memory_space<hbm>>) dst(%dma_wait3A_148 : memref<128x128xf32, #tpu.memory_space<vmem>>)
      %mul3A_156 = arith.constant 128 : i32
      %mul3A_157 = arith.muli %add3A_142, %mul3A_156 : i32
      %add3A_158 = arith.addi %mul3A_2, %mul3A_157 : i32
      %dma_start3A_159 = arith.constant 0 : i32
      %dma_start3A_160 = arith.constant 0 : i32
      %dma_start3A_161 = arith.constant 0 : i32
      %dma_start3A_162 = arith.constant 0 : i32
      %dma_start3A_163 = tpu.memref_slice %arg6[%dma_start3A_159, %dma_start3A_161, %dma_start3A_162] : memref<5x128x128xf32, #tpu.memory_space<vmem>> -> memref<1x128x128xf32, #tpu.memory_space<vmem>>
      %dma_start3A_164 = tpu.memref_squeeze %dma_start3A_163 : memref<1x128x128xf32, #tpu.memory_space<vmem>> -> memref<128x128xf32, #tpu.memory_space<vmem>>
      %dma_start3A_165 = arith.constant 0 : i32
      %dma_start3A_166 = tpu.memref_slice %arg4[%add3A_158, %dma_start3A_165] : memref<819200x128xf32, #tpu.memory_space<hbm>> -> memref<128x128xf32, #tpu.memory_space<hbm>>
      %dma_start3A_167 = tpu.memref_slice %arg8[%dma_start3A_160] : memref<5x!tpu.dma_semaphore, #tpu.memory_space<semaphore_mem>> -> memref<1x!tpu.dma_semaphore, #tpu.memory_space<semaphore_mem>>
      %dma_start3A_168 = tpu.memref_squeeze %dma_start3A_167 : memref<1x!tpu.dma_semaphore, #tpu.memory_space<semaphore_mem>> -> memref<!tpu.dma_semaphore, #tpu.memory_space<semaphore_mem>>
      %dma_start3A_169 = arith.constant 0 : i32
      %dma_start3A_170 = tpu.memref_slice %arg4[%add3A_158, %dma_start3A_169] : memref<819200x128xf32, #tpu.memory_space<hbm>> -> memref<128x128xf32, #tpu.memory_space<hbm>>
      %dma_start3A_171 = arith.constant 0 : i32
      %dma_start3A_172 = arith.constant 0 : i32
      %dma_start3A_173 = tpu.memref_slice %arg6[%dma_start3A_159, %dma_start3A_171, %dma_start3A_172] : memref<5x128x128xf32, #tpu.memory_space<vmem>> -> memref<1x128x128xf32, #tpu.memory_space<vmem>>
      %dma_start3A_174 = tpu.memref_squeeze %dma_start3A_173 : memref<1x128x128xf32, #tpu.memory_space<vmem>> -> memref<128x128xf32, #tpu.memory_space<vmem>>
      tpu.enqueue_dma source(%dma_start3A_174 : memref<128x128xf32, #tpu.memory_space<vmem>>) target(%dma_start3A_170 : memref<128x128xf32, #tpu.memory_space<hbm>>) target_semaphore(%dma_start3A_168 : memref<!tpu.dma_semaphore, #tpu.memory_space<semaphore_mem>>)
      %gt3A = arith.constant 0 : i32
      %gt3A_175 = arith.cmpi sgt, %scan3A_138, %gt3A : i32
      %convert_element_type3A = arith.extui %gt3A_175 : i1 to i32
      %cond3A = arith.constant 0 : i32
      %cond3A_176 = arith.cmpi ne, %convert_element_type3A, %cond3A : i32
      scf.if %cond3A_176 {
        %dma_wait3A_357 = arith.constant 4 : i32
        %dma_wait3A_358 = arith.constant 4 : i32
        %dma_wait3A_359 = arith.constant 0 : i32
        %dma_wait3A_360 = arith.constant 0 : i32
        %dma_wait3A_361 = tpu.memref_slice %arg6[%dma_wait3A_357, %dma_wait3A_359, %dma_wait3A_360] : memref<5x128x128xf32, #tpu.memory_space<vmem>> -> memref<1x128x128xf32, #tpu.memory_space<vmem>>
        %dma_wait3A_362 = tpu.memref_squeeze %dma_wait3A_361 : memref<1x128x128xf32, #tpu.memory_space<vmem>> -> memref<128x128xf32, #tpu.memory_space<vmem>>
        %dma_wait3A_363 = arith.constant 0 : i32
        %dma_wait3A_364 = tpu.memref_slice %arg4[%mul3A_2, %dma_wait3A_363] : memref<819200x128xf32, #tpu.memory_space<hbm>> -> memref<128x128xf32, #tpu.memory_space<hbm>>
        %dma_wait3A_365 = tpu.memref_slice %arg8[%dma_wait3A_358] : memref<5x!tpu.dma_semaphore, #tpu.memory_space<semaphore_mem>> -> memref<1x!tpu.dma_semaphore, #tpu.memory_space<semaphore_mem>>
        %dma_wait3A_366 = tpu.memref_squeeze %dma_wait3A_365 : memref<1x!tpu.dma_semaphore, #tpu.memory_space<semaphore_mem>> -> memref<!tpu.dma_semaphore, #tpu.memory_space<semaphore_mem>>
        %dma_wait3A_367 = arith.constant 0 : i32
        %dma_wait3A_368 = arith.constant 0 : i32
        %dma_wait3A_369 = tpu.memref_slice %arg6[%dma_wait3A_357, %dma_wait3A_367, %dma_wait3A_368] : memref<5x128x128xf32, #tpu.memory_space<vmem>> -> memref<1x128x128xf32, #tpu.memory_space<vmem>>
        %dma_wait3A_370 = tpu.memref_squeeze %dma_wait3A_369 : memref<1x128x128xf32, #tpu.memory_space<vmem>> -> memref<128x128xf32, #tpu.memory_space<vmem>>
        %dma_wait3A_371 = arith.constant 0 : i32
        %dma_wait3A_372 = tpu.memref_slice %arg4[%mul3A_2, %dma_wait3A_371] : memref<819200x128xf32, #tpu.memory_space<hbm>> -> memref<128x128xf32, #tpu.memory_space<hbm>>
        tpu.wait_dma2 semaphore(%dma_wait3A_366 : memref<!tpu.dma_semaphore, #tpu.memory_space<semaphore_mem>>) src(%dma_wait3A_372 : memref<128x128xf32, #tpu.memory_space<hbm>>) dst(%dma_wait3A_370 : memref<128x128xf32, #tpu.memory_space<vmem>>)
      } else {
      }
      %add3A_177 = arith.constant 5 : i32
      %add3A_178 = arith.addi %add3A_142, %add3A_177 : i32
      %sub3A = arith.constant 1 : i32
      %sub3A_179 = arith.subi %add3A_178, %sub3A : i32
      %mul3A_180 = arith.constant 128 : i32
      %mul3A_181 = arith.muli %sub3A_179, %mul3A_180 : i32
      %dma_start3A_182 = arith.constant 4 : i32
      %dma_start3A_183 = arith.constant 4 : i32
      %dma_start3A_184 = arith.constant 0 : i32
      %dma_start3A_185 = arith.constant 0 : i32
      %dma_start3A_186 = tpu.memref_slice %arg6[%dma_start3A_182, %dma_start3A_184, %dma_start3A_185] : memref<5x128x128xf32, #tpu.memory_space<vmem>> -> memref<1x128x128xf32, #tpu.memory_space<vmem>>
      %dma_start3A_187 = tpu.memref_squeeze %dma_start3A_186 : memref<1x128x128xf32, #tpu.memory_space<vmem>> -> memref<128x128xf32, #tpu.memory_space<vmem>>
      %dma_start3A_188 = tpu.memref_slice %arg5[%mul3A_181] : memref<25600xi32, #tpu.memory_space<vmem>> -> memref<128xi32, #tpu.memory_space<vmem>>
      %dma_start3A_189 = arith.constant 0 : i32
      %dma_start3A_190 = arith.constant 0 : i32
      %dma_start3A_191 = tpu.memref_slice %arg3[%dma_start3A_189, %dma_start3A_190] : memref<100032x128xf32, #tpu.memory_space<hbm>> -> memref<100032x128xf32, #tpu.memory_space<hbm>>
      %dma_start3A_192 = tpu.memref_slice %arg7[%dma_start3A_183] : memref<5x!tpu.dma_semaphore, #tpu.memory_space<semaphore_mem>> -> memref<1x!tpu.dma_semaphore, #tpu.memory_space<semaphore_mem>>
      %dma_start3A_193 = tpu.memref_squeeze %dma_start3A_192 : memref<1x!tpu.dma_semaphore, #tpu.memory_space<semaphore_mem>> -> memref<!tpu.dma_semaphore, #tpu.memory_space<semaphore_mem>>
      tpu.enqueue_indirect_dma source(%dma_start3A_191 : memref<100032x128xf32, #tpu.memory_space<hbm>>) target(%dma_start3A_187 : memref<128x128xf32, #tpu.memory_space<vmem>>) offsets(%dma_start3A_188 : memref<128xi32, #tpu.memory_space<vmem>>) semaphore(%dma_start3A_193 : memref<!tpu.dma_semaphore, #tpu.memory_space<semaphore_mem>>)
      %mul3A_194 = arith.constant 5 : i32
      %mul3A_195 = arith.muli %scan3A_138, %mul3A_194 : i32
      %add3A_196 = arith.constant 1 : i32
      %add3A_197 = arith.addi %mul3A_195, %add3A_196 : i32
      %dma_wait3A_198 = arith.constant 1 : i32
      %dma_wait3A_199 = arith.constant 1 : i32
      %dma_wait3A_200 = arith.constant 0 : i32
      %dma_wait3A_201 = arith.constant 0 : i32
      %dma_wait3A_202 = tpu.memref_slice %arg6[%dma_wait3A_198, %dma_wait3A_200, %dma_wait3A_201] : memref<5x128x128xf32, #tpu.memory_space<vmem>> -> memref<1x128x128xf32, #tpu.memory_space<vmem>>
      %dma_wait3A_203 = tpu.memref_squeeze %dma_wait3A_202 : memref<1x128x128xf32, #tpu.memory_space<vmem>> -> memref<128x128xf32, #tpu.memory_space<vmem>>
      %dma_wait3A_204 = arith.constant 0 : i32
      %dma_wait3A_205 = tpu.memref_slice %arg5[%dma_wait3A_204] : memref<25600xi32, #tpu.memory_space<vmem>> -> memref<128xi32, #tpu.memory_space<vmem>>
      %dma_wait3A_206 = arith.constant 0 : i32
      %dma_wait3A_207 = arith.constant 0 : i32
      %dma_wait3A_208 = tpu.memref_slice %arg3[%dma_wait3A_206, %dma_wait3A_207] : memref<100032x128xf32, #tpu.memory_space<hbm>> -> memref<100032x128xf32, #tpu.memory_space<hbm>>
      %dma_wait3A_209 = tpu.memref_slice %arg7[%dma_wait3A_199] : memref<5x!tpu.dma_semaphore, #tpu.memory_space<semaphore_mem>> -> memref<1x!tpu.dma_semaphore, #tpu.memory_space<semaphore_mem>>
      %dma_wait3A_210 = tpu.memref_squeeze %dma_wait3A_209 : memref<1x!tpu.dma_semaphore, #tpu.memory_space<semaphore_mem>> -> memref<!tpu.dma_semaphore, #tpu.memory_space<semaphore_mem>>
      tpu.wait_indirect_dma semaphore(%dma_wait3A_210 : memref<!tpu.dma_semaphore, #tpu.memory_space<semaphore_mem>>) src(%dma_wait3A_208 : memref<100032x128xf32, #tpu.memory_space<hbm>>) dst(%dma_wait3A_203 : memref<128x128xf32, #tpu.memory_space<vmem>>)
      %mul3A_211 = arith.constant 128 : i32
      %mul3A_212 = arith.muli %add3A_197, %mul3A_211 : i32
      %add3A_213 = arith.addi %mul3A_2, %mul3A_212 : i32
      %dma_start3A_214 = arith.constant 1 : i32
      %dma_start3A_215 = arith.constant 1 : i32
      %dma_start3A_216 = arith.constant 0 : i32
      %dma_start3A_217 = arith.constant 0 : i32
      %dma_start3A_218 = tpu.memref_slice %arg6[%dma_start3A_214, %dma_start3A_216, %dma_start3A_217] : memref<5x128x128xf32, #tpu.memory_space<vmem>> -> memref<1x128x128xf32, #tpu.memory_space<vmem>>
      %dma_start3A_219 = tpu.memref_squeeze %dma_start3A_218 : memref<1x128x128xf32, #tpu.memory_space<vmem>> -> memref<128x128xf32, #tpu.memory_space<vmem>>
      %dma_start3A_220 = arith.constant 0 : i32
      %dma_start3A_221 = tpu.memref_slice %arg4[%add3A_213, %dma_start3A_220] : memref<819200x128xf32, #tpu.memory_space<hbm>> -> memref<128x128xf32, #tpu.memory_space<hbm>>
      %dma_start3A_222 = tpu.memref_slice %arg8[%dma_start3A_215] : memref<5x!tpu.dma_semaphore, #tpu.memory_space<semaphore_mem>> -> memref<1x!tpu.dma_semaphore, #tpu.memory_space<semaphore_mem>>
      %dma_start3A_223 = tpu.memref_squeeze %dma_start3A_222 : memref<1x!tpu.dma_semaphore, #tpu.memory_space<semaphore_mem>> -> memref<!tpu.dma_semaphore, #tpu.memory_space<semaphore_mem>>
      %dma_start3A_224 = arith.constant 0 : i32
      %dma_start3A_225 = tpu.memref_slice %arg4[%add3A_213, %dma_start3A_224] : memref<819200x128xf32, #tpu.memory_space<hbm>> -> memref<128x128xf32, #tpu.memory_space<hbm>>
      %dma_start3A_226 = arith.constant 0 : i32
      %dma_start3A_227 = arith.constant 0 : i32
      %dma_start3A_228 = tpu.memref_slice %arg6[%dma_start3A_214, %dma_start3A_226, %dma_start3A_227] : memref<5x128x128xf32, #tpu.memory_space<vmem>> -> memref<1x128x128xf32, #tpu.memory_space<vmem>>
      %dma_start3A_229 = tpu.memref_squeeze %dma_start3A_228 : memref<1x128x128xf32, #tpu.memory_space<vmem>> -> memref<128x128xf32, #tpu.memory_space<vmem>>
      tpu.enqueue_dma source(%dma_start3A_229 : memref<128x128xf32, #tpu.memory_space<vmem>>) target(%dma_start3A_225 : memref<128x128xf32, #tpu.memory_space<hbm>>) target_semaphore(%dma_start3A_223 : memref<!tpu.dma_semaphore, #tpu.memory_space<semaphore_mem>>)
      %lt3A = arith.constant 39 : i32
      %lt3A_230 = arith.cmpi slt, %scan3A_138, %lt3A : i32
      %convert_element_type3A_231 = arith.extui %lt3A_230 : i1 to i32
      %cond3A_232 = arith.constant 0 : i32
      %cond3A_233 = arith.cmpi ne, %convert_element_type3A_231, %cond3A_232 : i32
      scf.if %cond3A_233 {
        %dma_wait3A_357 = arith.constant 0 : i32
        %dma_wait3A_358 = arith.constant 0 : i32
        %dma_wait3A_359 = arith.constant 0 : i32
        %dma_wait3A_360 = arith.constant 0 : i32
        %dma_wait3A_361 = tpu.memref_slice %arg6[%dma_wait3A_357, %dma_wait3A_359, %dma_wait3A_360] : memref<5x128x128xf32, #tpu.memory_space<vmem>> -> memref<1x128x128xf32, #tpu.memory_space<vmem>>
        %dma_wait3A_362 = tpu.memref_squeeze %dma_wait3A_361 : memref<1x128x128xf32, #tpu.memory_space<vmem>> -> memref<128x128xf32, #tpu.memory_space<vmem>>
        %dma_wait3A_363 = arith.constant 0 : i32
        %dma_wait3A_364 = tpu.memref_slice %arg4[%mul3A_2, %dma_wait3A_363] : memref<819200x128xf32, #tpu.memory_space<hbm>> -> memref<128x128xf32, #tpu.memory_space<hbm>>
        %dma_wait3A_365 = tpu.memref_slice %arg8[%dma_wait3A_358] : memref<5x!tpu.dma_semaphore, #tpu.memory_space<semaphore_mem>> -> memref<1x!tpu.dma_semaphore, #tpu.memory_space<semaphore_mem>>
        %dma_wait3A_366 = tpu.memref_squeeze %dma_wait3A_365 : memref<1x!tpu.dma_semaphore, #tpu.memory_space<semaphore_mem>> -> memref<!tpu.dma_semaphore, #tpu.memory_space<semaphore_mem>>
        %dma_wait3A_367 = arith.constant 0 : i32
        %dma_wait3A_368 = arith.constant 0 : i32
        %dma_wait3A_369 = tpu.memref_slice %arg6[%dma_wait3A_357, %dma_wait3A_367, %dma_wait3A_368] : memref<5x128x128xf32, #tpu.memory_space<vmem>> -> memref<1x128x128xf32, #tpu.memory_space<vmem>>
        %dma_wait3A_370 = tpu.memref_squeeze %dma_wait3A_369 : memref<1x128x128xf32, #tpu.memory_space<vmem>> -> memref<128x128xf32, #tpu.memory_space<vmem>>
        %dma_wait3A_371 = arith.constant 0 : i32
        %dma_wait3A_372 = tpu.memref_slice %arg4[%mul3A_2, %dma_wait3A_371] : memref<819200x128xf32, #tpu.memory_space<hbm>> -> memref<128x128xf32, #tpu.memory_space<hbm>>
        tpu.wait_dma2 semaphore(%dma_wait3A_366 : memref<!tpu.dma_semaphore, #tpu.memory_space<semaphore_mem>>) src(%dma_wait3A_372 : memref<128x128xf32, #tpu.memory_space<hbm>>) dst(%dma_wait3A_370 : memref<128x128xf32, #tpu.memory_space<vmem>>)
        %add3A_373 = arith.constant 5 : i32
        %add3A_374 = arith.addi %add3A_197, %add3A_373 : i32
        %sub3A_375 = arith.constant 1 : i32
        %sub3A_376 = arith.subi %add3A_374, %sub3A_375 : i32
        %mul3A_377 = arith.constant 128 : i32
        %mul3A_378 = arith.muli %sub3A_376, %mul3A_377 : i32
        %dma_start3A_379 = arith.constant 0 : i32
        %dma_start3A_380 = arith.constant 0 : i32
        %dma_start3A_381 = arith.constant 0 : i32
        %dma_start3A_382 = arith.constant 0 : i32
        %dma_start3A_383 = tpu.memref_slice %arg6[%dma_start3A_379, %dma_start3A_381, %dma_start3A_382] : memref<5x128x128xf32, #tpu.memory_space<vmem>> -> memref<1x128x128xf32, #tpu.memory_space<vmem>>
        %dma_start3A_384 = tpu.memref_squeeze %dma_start3A_383 : memref<1x128x128xf32, #tpu.memory_space<vmem>> -> memref<128x128xf32, #tpu.memory_space<vmem>>
        %dma_start3A_385 = tpu.memref_slice %arg5[%mul3A_378] : memref<25600xi32, #tpu.memory_space<vmem>> -> memref<128xi32, #tpu.memory_space<vmem>>
        %dma_start3A_386 = arith.constant 0 : i32
        %dma_start3A_387 = arith.constant 0 : i32
        %dma_start3A_388 = tpu.memref_slice %arg3[%dma_start3A_386, %dma_start3A_387] : memref<100032x128xf32, #tpu.memory_space<hbm>> -> memref<100032x128xf32, #tpu.memory_space<hbm>>
        %dma_start3A_389 = tpu.memref_slice %arg7[%dma_start3A_380] : memref<5x!tpu.dma_semaphore, #tpu.memory_space<semaphore_mem>> -> memref<1x!tpu.dma_semaphore, #tpu.memory_space<semaphore_mem>>
        %dma_start3A_390 = tpu.memref_squeeze %dma_start3A_389 : memref<1x!tpu.dma_semaphore, #tpu.memory_space<semaphore_mem>> -> memref<!tpu.dma_semaphore, #tpu.memory_space<semaphore_mem>>
        tpu.enqueue_indirect_dma source(%dma_start3A_388 : memref<100032x128xf32, #tpu.memory_space<hbm>>) target(%dma_start3A_384 : memref<128x128xf32, #tpu.memory_space<vmem>>) offsets(%dma_start3A_385 : memref<128xi32, #tpu.memory_space<vmem>>) semaphore(%dma_start3A_390 : memref<!tpu.dma_semaphore, #tpu.memory_space<semaphore_mem>>)
      } else {
      }
      %mul3A_234 = arith.constant 5 : i32
      %mul3A_235 = arith.muli %scan3A_138, %mul3A_234 : i32
      %add3A_236 = arith.constant 2 : i32
      %add3A_237 = arith.addi %mul3A_235, %add3A_236 : i32
      %dma_wait3A_238 = arith.constant 2 : i32
      %dma_wait3A_239 = arith.constant 2 : i32
      %dma_wait3A_240 = arith.constant 0 : i32
      %dma_wait3A_241 = arith.constant 0 : i32
      %dma_wait3A_242 = tpu.memref_slice %arg6[%dma_wait3A_238, %dma_wait3A_240, %dma_wait3A_241] : memref<5x128x128xf32, #tpu.memory_space<vmem>> -> memref<1x128x128xf32, #tpu.memory_space<vmem>>
      %dma_wait3A_243 = tpu.memref_squeeze %dma_wait3A_242 : memref<1x128x128xf32, #tpu.memory_space<vmem>> -> memref<128x128xf32, #tpu.memory_space<vmem>>
      %dma_wait3A_244 = arith.constant 0 : i32
      %dma_wait3A_245 = tpu.memref_slice %arg5[%dma_wait3A_244] : memref<25600xi32, #tpu.memory_space<vmem>> -> memref<128xi32, #tpu.memory_space<vmem>>
      %dma_wait3A_246 = arith.constant 0 : i32
      %dma_wait3A_247 = arith.constant 0 : i32
      %dma_wait3A_248 = tpu.memref_slice %arg3[%dma_wait3A_246, %dma_wait3A_247] : memref<100032x128xf32, #tpu.memory_space<hbm>> -> memref<100032x128xf32, #tpu.memory_space<hbm>>
      %dma_wait3A_249 = tpu.memref_slice %arg7[%dma_wait3A_239] : memref<5x!tpu.dma_semaphore, #tpu.memory_space<semaphore_mem>> -> memref<1x!tpu.dma_semaphore, #tpu.memory_space<semaphore_mem>>
      %dma_wait3A_250 = tpu.memref_squeeze %dma_wait3A_249 : memref<1x!tpu.dma_semaphore, #tpu.memory_space<semaphore_mem>> -> memref<!tpu.dma_semaphore, #tpu.memory_space<semaphore_mem>>
      tpu.wait_indirect_dma semaphore(%dma_wait3A_250 : memref<!tpu.dma_semaphore, #tpu.memory_space<semaphore_mem>>) src(%dma_wait3A_248 : memref<100032x128xf32, #tpu.memory_space<hbm>>) dst(%dma_wait3A_243 : memref<128x128xf32, #tpu.memory_space<vmem>>)
      %mul3A_251 = arith.constant 128 : i32
      %mul3A_252 = arith.muli %add3A_237, %mul3A_251 : i32
      %add3A_253 = arith.addi %mul3A_2, %mul3A_252 : i32
      %dma_start3A_254 = arith.constant 2 : i32
      %dma_start3A_255 = arith.constant 2 : i32
      %dma_start3A_256 = arith.constant 0 : i32
      %dma_start3A_257 = arith.constant 0 : i32
      %dma_start3A_258 = tpu.memref_slice %arg6[%dma_start3A_254, %dma_start3A_256, %dma_start3A_257] : memref<5x128x128xf32, #tpu.memory_space<vmem>> -> memref<1x128x128xf32, #tpu.memory_space<vmem>>
      %dma_start3A_259 = tpu.memref_squeeze %dma_start3A_258 : memref<1x128x128xf32, #tpu.memory_space<vmem>> -> memref<128x128xf32, #tpu.memory_space<vmem>>
      %dma_start3A_260 = arith.constant 0 : i32
      %dma_start3A_261 = tpu.memref_slice %arg4[%add3A_253, %dma_start3A_260] : memref<819200x128xf32, #tpu.memory_space<hbm>> -> memref<128x128xf32, #tpu.memory_space<hbm>>
      %dma_start3A_262 = tpu.memref_slice %arg8[%dma_start3A_255] : memref<5x!tpu.dma_semaphore, #tpu.memory_space<semaphore_mem>> -> memref<1x!tpu.dma_semaphore, #tpu.memory_space<semaphore_mem>>
      %dma_start3A_263 = tpu.memref_squeeze %dma_start3A_262 : memref<1x!tpu.dma_semaphore, #tpu.memory_space<semaphore_mem>> -> memref<!tpu.dma_semaphore, #tpu.memory_space<semaphore_mem>>
      %dma_start3A_264 = arith.constant 0 : i32
      %dma_start3A_265 = tpu.memref_slice %arg4[%add3A_253, %dma_start3A_264] : memref<819200x128xf32, #tpu.memory_space<hbm>> -> memref<128x128xf32, #tpu.memory_space<hbm>>
      %dma_start3A_266 = arith.constant 0 : i32
      %dma_start3A_267 = arith.constant 0 : i32
      %dma_start3A_268 = tpu.memref_slice %arg6[%dma_start3A_254, %dma_start3A_266, %dma_start3A_267] : memref<5x128x128xf32, #tpu.memory_space<vmem>> -> memref<1x128x128xf32, #tpu.memory_space<vmem>>
      %dma_start3A_269 = tpu.memref_squeeze %dma_start3A_268 : memref<1x128x128xf32, #tpu.memory_space<vmem>> -> memref<128x128xf32, #tpu.memory_space<vmem>>
      tpu.enqueue_dma source(%dma_start3A_269 : memref<128x128xf32, #tpu.memory_space<vmem>>) target(%dma_start3A_265 : memref<128x128xf32, #tpu.memory_space<hbm>>) target_semaphore(%dma_start3A_263 : memref<!tpu.dma_semaphore, #tpu.memory_space<semaphore_mem>>)
      %lt3A_270 = arith.constant 39 : i32
      %lt3A_271 = arith.cmpi slt, %scan3A_138, %lt3A_270 : i32
      %convert_element_type3A_272 = arith.extui %lt3A_271 : i1 to i32
      %cond3A_273 = arith.constant 0 : i32
      %cond3A_274 = arith.cmpi ne, %convert_element_type3A_272, %cond3A_273 : i32
      scf.if %cond3A_274 {
        %dma_wait3A_357 = arith.constant 1 : i32
        %dma_wait3A_358 = arith.constant 1 : i32
        %dma_wait3A_359 = arith.constant 0 : i32
        %dma_wait3A_360 = arith.constant 0 : i32
        %dma_wait3A_361 = tpu.memref_slice %arg6[%dma_wait3A_357, %dma_wait3A_359, %dma_wait3A_360] : memref<5x128x128xf32, #tpu.memory_space<vmem>> -> memref<1x128x128xf32, #tpu.memory_space<vmem>>
        %dma_wait3A_362 = tpu.memref_squeeze %dma_wait3A_361 : memref<1x128x128xf32, #tpu.memory_space<vmem>> -> memref<128x128xf32, #tpu.memory_space<vmem>>
        %dma_wait3A_363 = arith.constant 0 : i32
        %dma_wait3A_364 = tpu.memref_slice %arg4[%mul3A_2, %dma_wait3A_363] : memref<819200x128xf32, #tpu.memory_space<hbm>> -> memref<128x128xf32, #tpu.memory_space<hbm>>
        %dma_wait3A_365 = tpu.memref_slice %arg8[%dma_wait3A_358] : memref<5x!tpu.dma_semaphore, #tpu.memory_space<semaphore_mem>> -> memref<1x!tpu.dma_semaphore, #tpu.memory_space<semaphore_mem>>
        %dma_wait3A_366 = tpu.memref_squeeze %dma_wait3A_365 : memref<1x!tpu.dma_semaphore, #tpu.memory_space<semaphore_mem>> -> memref<!tpu.dma_semaphore, #tpu.memory_space<semaphore_mem>>
        %dma_wait3A_367 = arith.constant 0 : i32
        %dma_wait3A_368 = arith.constant 0 : i32
        %dma_wait3A_369 = tpu.memref_slice %arg6[%dma_wait3A_357, %dma_wait3A_367, %dma_wait3A_368] : memref<5x128x128xf32, #tpu.memory_space<vmem>> -> memref<1x128x128xf32, #tpu.memory_space<vmem>>
        %dma_wait3A_370 = tpu.memref_squeeze %dma_wait3A_369 : memref<1x128x128xf32, #tpu.memory_space<vmem>> -> memref<128x128xf32, #tpu.memory_space<vmem>>
        %dma_wait3A_371 = arith.constant 0 : i32
        %dma_wait3A_372 = tpu.memref_slice %arg4[%mul3A_2, %dma_wait3A_371] : memref<819200x128xf32, #tpu.memory_space<hbm>> -> memref<128x128xf32, #tpu.memory_space<hbm>>
        tpu.wait_dma2 semaphore(%dma_wait3A_366 : memref<!tpu.dma_semaphore, #tpu.memory_space<semaphore_mem>>) src(%dma_wait3A_372 : memref<128x128xf32, #tpu.memory_space<hbm>>) dst(%dma_wait3A_370 : memref<128x128xf32, #tpu.memory_space<vmem>>)
        %add3A_373 = arith.constant 5 : i32
        %add3A_374 = arith.addi %add3A_237, %add3A_373 : i32
        %sub3A_375 = arith.constant 1 : i32
        %sub3A_376 = arith.subi %add3A_374, %sub3A_375 : i32
        %mul3A_377 = arith.constant 128 : i32
        %mul3A_378 = arith.muli %sub3A_376, %mul3A_377 : i32
        %dma_start3A_379 = arith.constant 1 : i32
        %dma_start3A_380 = arith.constant 1 : i32
        %dma_start3A_381 = arith.constant 0 : i32
        %dma_start3A_382 = arith.constant 0 : i32
        %dma_start3A_383 = tpu.memref_slice %arg6[%dma_start3A_379, %dma_start3A_381, %dma_start3A_382] : memref<5x128x128xf32, #tpu.memory_space<vmem>> -> memref<1x128x128xf32, #tpu.memory_space<vmem>>
        %dma_start3A_384 = tpu.memref_squeeze %dma_start3A_383 : memref<1x128x128xf32, #tpu.memory_space<vmem>> -> memref<128x128xf32, #tpu.memory_space<vmem>>
        %dma_start3A_385 = tpu.memref_slice %arg5[%mul3A_378] : memref<25600xi32, #tpu.memory_space<vmem>> -> memref<128xi32, #tpu.memory_space<vmem>>
        %dma_start3A_386 = arith.constant 0 : i32
        %dma_start3A_387 = arith.constant 0 : i32
        %dma_start3A_388 = tpu.memref_slice %arg3[%dma_start3A_386, %dma_start3A_387] : memref<100032x128xf32, #tpu.memory_space<hbm>> -> memref<100032x128xf32, #tpu.memory_space<hbm>>
        %dma_start3A_389 = tpu.memref_slice %arg7[%dma_start3A_380] : memref<5x!tpu.dma_semaphore, #tpu.memory_space<semaphore_mem>> -> memref<1x!tpu.dma_semaphore, #tpu.memory_space<semaphore_mem>>
        %dma_start3A_390 = tpu.memref_squeeze %dma_start3A_389 : memref<1x!tpu.dma_semaphore, #tpu.memory_space<semaphore_mem>> -> memref<!tpu.dma_semaphore, #tpu.memory_space<semaphore_mem>>
        tpu.enqueue_indirect_dma source(%dma_start3A_388 : memref<100032x128xf32, #tpu.memory_space<hbm>>) target(%dma_start3A_384 : memref<128x128xf32, #tpu.memory_space<vmem>>) offsets(%dma_start3A_385 : memref<128xi32, #tpu.memory_space<vmem>>) semaphore(%dma_start3A_390 : memref<!tpu.dma_semaphore, #tpu.memory_space<semaphore_mem>>)
      } else {
      }
      %mul3A_275 = arith.constant 5 : i32
      %mul3A_276 = arith.muli %scan3A_138, %mul3A_275 : i32
      %add3A_277 = arith.constant 3 : i32
      %add3A_278 = arith.addi %mul3A_276, %add3A_277 : i32
      %dma_wait3A_279 = arith.constant 3 : i32
      %dma_wait3A_280 = arith.constant 3 : i32
      %dma_wait3A_281 = arith.constant 0 : i32
      %dma_wait3A_282 = arith.constant 0 : i32
      %dma_wait3A_283 = tpu.memref_slice %arg6[%dma_wait3A_279, %dma_wait3A_281, %dma_wait3A_282] : memref<5x128x128xf32, #tpu.memory_space<vmem>> -> memref<1x128x128xf32, #tpu.memory_space<vmem>>
      %dma_wait3A_284 = tpu.memref_squeeze %dma_wait3A_283 : memref<1x128x128xf32, #tpu.memory_space<vmem>> -> memref<128x128xf32, #tpu.memory_space<vmem>>
      %dma_wait3A_285 = arith.constant 0 : i32
      %dma_wait3A_286 = tpu.memref_slice %arg5[%dma_wait3A_285] : memref<25600xi32, #tpu.memory_space<vmem>> -> memref<128xi32, #tpu.memory_space<vmem>>
      %dma_wait3A_287 = arith.constant 0 : i32
      %dma_wait3A_288 = arith.constant 0 : i32
      %dma_wait3A_289 = tpu.memref_slice %arg3[%dma_wait3A_287, %dma_wait3A_288] : memref<100032x128xf32, #tpu.memory_space<hbm>> -> memref<100032x128xf32, #tpu.memory_space<hbm>>
      %dma_wait3A_290 = tpu.memref_slice %arg7[%dma_wait3A_280] : memref<5x!tpu.dma_semaphore, #tpu.memory_space<semaphore_mem>> -> memref<1x!tpu.dma_semaphore, #tpu.memory_space<semaphore_mem>>
      %dma_wait3A_291 = tpu.memref_squeeze %dma_wait3A_290 : memref<1x!tpu.dma_semaphore, #tpu.memory_space<semaphore_mem>> -> memref<!tpu.dma_semaphore, #tpu.memory_space<semaphore_mem>>
      tpu.wait_indirect_dma semaphore(%dma_wait3A_291 : memref<!tpu.dma_semaphore, #tpu.memory_space<semaphore_mem>>) src(%dma_wait3A_289 : memref<100032x128xf32, #tpu.memory_space<hbm>>) dst(%dma_wait3A_284 : memref<128x128xf32, #tpu.memory_space<vmem>>)
      %mul3A_292 = arith.constant 128 : i32
      %mul3A_293 = arith.muli %add3A_278, %mul3A_292 : i32
      %add3A_294 = arith.addi %mul3A_2, %mul3A_293 : i32
      %dma_start3A_295 = arith.constant 3 : i32
      %dma_start3A_296 = arith.constant 3 : i32
      %dma_start3A_297 = arith.constant 0 : i32
      %dma_start3A_298 = arith.constant 0 : i32
      %dma_start3A_299 = tpu.memref_slice %arg6[%dma_start3A_295, %dma_start3A_297, %dma_start3A_298] : memref<5x128x128xf32, #tpu.memory_space<vmem>> -> memref<1x128x128xf32, #tpu.memory_space<vmem>>
      %dma_start3A_300 = tpu.memref_squeeze %dma_start3A_299 : memref<1x128x128xf32, #tpu.memory_space<vmem>> -> memref<128x128xf32, #tpu.memory_space<vmem>>
      %dma_start3A_301 = arith.constant 0 : i32
      %dma_start3A_302 = tpu.memref_slice %arg4[%add3A_294, %dma_start3A_301] : memref<819200x128xf32, #tpu.memory_space<hbm>> -> memref<128x128xf32, #tpu.memory_space<hbm>>
      %dma_start3A_303 = tpu.memref_slice %arg8[%dma_start3A_296] : memref<5x!tpu.dma_semaphore, #tpu.memory_space<semaphore_mem>> -> memref<1x!tpu.dma_semaphore, #tpu.memory_space<semaphore_mem>>
      %dma_start3A_304 = tpu.memref_squeeze %dma_start3A_303 : memref<1x!tpu.dma_semaphore, #tpu.memory_space<semaphore_mem>> -> memref<!tpu.dma_semaphore, #tpu.memory_space<semaphore_mem>>
      %dma_start3A_305 = arith.constant 0 : i32
      %dma_start3A_306 = tpu.memref_slice %arg4[%add3A_294, %dma_start3A_305] : memref<819200x128xf32, #tpu.memory_space<hbm>> -> memref<128x128xf32, #tpu.memory_space<hbm>>
      %dma_start3A_307 = arith.constant 0 : i32
      %dma_start3A_308 = arith.constant 0 : i32
      %dma_start3A_309 = tpu.memref_slice %arg6[%dma_start3A_295, %dma_start3A_307, %dma_start3A_308] : memref<5x128x128xf32, #tpu.memory_space<vmem>> -> memref<1x128x128xf32, #tpu.memory_space<vmem>>
      %dma_start3A_310 = tpu.memref_squeeze %dma_start3A_309 : memref<1x128x128xf32, #tpu.memory_space<vmem>> -> memref<128x128xf32, #tpu.memory_space<vmem>>
      tpu.enqueue_dma source(%dma_start3A_310 : memref<128x128xf32, #tpu.memory_space<vmem>>) target(%dma_start3A_306 : memref<128x128xf32, #tpu.memory_space<hbm>>) target_semaphore(%dma_start3A_304 : memref<!tpu.dma_semaphore, #tpu.memory_space<semaphore_mem>>)
      %lt3A_311 = arith.constant 39 : i32
      %lt3A_312 = arith.cmpi slt, %scan3A_138, %lt3A_311 : i32
      %convert_element_type3A_313 = arith.extui %lt3A_312 : i1 to i32
      %cond3A_314 = arith.constant 0 : i32
      %cond3A_315 = arith.cmpi ne, %convert_element_type3A_313, %cond3A_314 : i32
      scf.if %cond3A_315 {
        %dma_wait3A_357 = arith.constant 2 : i32
        %dma_wait3A_358 = arith.constant 2 : i32
        %dma_wait3A_359 = arith.constant 0 : i32
        %dma_wait3A_360 = arith.constant 0 : i32
        %dma_wait3A_361 = tpu.memref_slice %arg6[%dma_wait3A_357, %dma_wait3A_359, %dma_wait3A_360] : memref<5x128x128xf32, #tpu.memory_space<vmem>> -> memref<1x128x128xf32, #tpu.memory_space<vmem>>
        %dma_wait3A_362 = tpu.memref_squeeze %dma_wait3A_361 : memref<1x128x128xf32, #tpu.memory_space<vmem>> -> memref<128x128xf32, #tpu.memory_space<vmem>>
        %dma_wait3A_363 = arith.constant 0 : i32
        %dma_wait3A_364 = tpu.memref_slice %arg4[%mul3A_2, %dma_wait3A_363] : memref<819200x128xf32, #tpu.memory_space<hbm>> -> memref<128x128xf32, #tpu.memory_space<hbm>>
        %dma_wait3A_365 = tpu.memref_slice %arg8[%dma_wait3A_358] : memref<5x!tpu.dma_semaphore, #tpu.memory_space<semaphore_mem>> -> memref<1x!tpu.dma_semaphore, #tpu.memory_space<semaphore_mem>>
        %dma_wait3A_366 = tpu.memref_squeeze %dma_wait3A_365 : memref<1x!tpu.dma_semaphore, #tpu.memory_space<semaphore_mem>> -> memref<!tpu.dma_semaphore, #tpu.memory_space<semaphore_mem>>
        %dma_wait3A_367 = arith.constant 0 : i32
        %dma_wait3A_368 = arith.constant 0 : i32
        %dma_wait3A_369 = tpu.memref_slice %arg6[%dma_wait3A_357, %dma_wait3A_367, %dma_wait3A_368] : memref<5x128x128xf32, #tpu.memory_space<vmem>> -> memref<1x128x128xf32, #tpu.memory_space<vmem>>
        %dma_wait3A_370 = tpu.memref_squeeze %dma_wait3A_369 : memref<1x128x128xf32, #tpu.memory_space<vmem>> -> memref<128x128xf32, #tpu.memory_space<vmem>>
        %dma_wait3A_371 = arith.constant 0 : i32
        %dma_wait3A_372 = tpu.memref_slice %arg4[%mul3A_2, %dma_wait3A_371] : memref<819200x128xf32, #tpu.memory_space<hbm>> -> memref<128x128xf32, #tpu.memory_space<hbm>>
        tpu.wait_dma2 semaphore(%dma_wait3A_366 : memref<!tpu.dma_semaphore, #tpu.memory_space<semaphore_mem>>) src(%dma_wait3A_372 : memref<128x128xf32, #tpu.memory_space<hbm>>) dst(%dma_wait3A_370 : memref<128x128xf32, #tpu.memory_space<vmem>>)
        %add3A_373 = arith.constant 5 : i32
        %add3A_374 = arith.addi %add3A_278, %add3A_373 : i32
        %sub3A_375 = arith.constant 1 : i32
        %sub3A_376 = arith.subi %add3A_374, %sub3A_375 : i32
        %mul3A_377 = arith.constant 128 : i32
        %mul3A_378 = arith.muli %sub3A_376, %mul3A_377 : i32
        %dma_start3A_379 = arith.constant 2 : i32
        %dma_start3A_380 = arith.constant 2 : i32
        %dma_start3A_381 = arith.constant 0 : i32
        %dma_start3A_382 = arith.constant 0 : i32
        %dma_start3A_383 = tpu.memref_slice %arg6[%dma_start3A_379, %dma_start3A_381, %dma_start3A_382] : memref<5x128x128xf32, #tpu.memory_space<vmem>> -> memref<1x128x128xf32, #tpu.memory_space<vmem>>
        %dma_start3A_384 = tpu.memref_squeeze %dma_start3A_383 : memref<1x128x128xf32, #tpu.memory_space<vmem>> -> memref<128x128xf32, #tpu.memory_space<vmem>>
        %dma_start3A_385 = tpu.memref_slice %arg5[%mul3A_378] : memref<25600xi32, #tpu.memory_space<vmem>> -> memref<128xi32, #tpu.memory_space<vmem>>
        %dma_start3A_386 = arith.constant 0 : i32
        %dma_start3A_387 = arith.constant 0 : i32
        %dma_start3A_388 = tpu.memref_slice %arg3[%dma_start3A_386, %dma_start3A_387] : memref<100032x128xf32, #tpu.memory_space<hbm>> -> memref<100032x128xf32, #tpu.memory_space<hbm>>
        %dma_start3A_389 = tpu.memref_slice %arg7[%dma_start3A_380] : memref<5x!tpu.dma_semaphore, #tpu.memory_space<semaphore_mem>> -> memref<1x!tpu.dma_semaphore, #tpu.memory_space<semaphore_mem>>
        %dma_start3A_390 = tpu.memref_squeeze %dma_start3A_389 : memref<1x!tpu.dma_semaphore, #tpu.memory_space<semaphore_mem>> -> memref<!tpu.dma_semaphore, #tpu.memory_space<semaphore_mem>>
        tpu.enqueue_indirect_dma source(%dma_start3A_388 : memref<100032x128xf32, #tpu.memory_space<hbm>>) target(%dma_start3A_384 : memref<128x128xf32, #tpu.memory_space<vmem>>) offsets(%dma_start3A_385 : memref<128xi32, #tpu.memory_space<vmem>>) semaphore(%dma_start3A_390 : memref<!tpu.dma_semaphore, #tpu.memory_space<semaphore_mem>>)
      } else {
      }
      %mul3A_316 = arith.constant 5 : i32
      %mul3A_317 = arith.muli %scan3A_138, %mul3A_316 : i32
      %add3A_318 = arith.constant 4 : i32
      %add3A_319 = arith.addi %mul3A_317, %add3A_318 : i32
      %dma_wait3A_320 = arith.constant 4 : i32
      %dma_wait3A_321 = arith.constant 4 : i32
      %dma_wait3A_322 = arith.constant 0 : i32
      %dma_wait3A_323 = arith.constant 0 : i32
      %dma_wait3A_324 = tpu.memref_slice %arg6[%dma_wait3A_320, %dma_wait3A_322, %dma_wait3A_323] : memref<5x128x128xf32, #tpu.memory_space<vmem>> -> memref<1x128x128xf32, #tpu.memory_space<vmem>>
      %dma_wait3A_325 = tpu.memref_squeeze %dma_wait3A_324 : memref<1x128x128xf32, #tpu.memory_space<vmem>> -> memref<128x128xf32, #tpu.memory_space<vmem>>
      %dma_wait3A_326 = arith.constant 0 : i32
      %dma_wait3A_327 = tpu.memref_slice %arg5[%dma_wait3A_326] : memref<25600xi32, #tpu.memory_space<vmem>> -> memref<128xi32, #tpu.memory_space<vmem>>
      %dma_wait3A_328 = arith.constant 0 : i32
      %dma_wait3A_329 = arith.constant 0 : i32
      %dma_wait3A_330 = tpu.memref_slice %arg3[%dma_wait3A_328, %dma_wait3A_329] : memref<100032x128xf32, #tpu.memory_space<hbm>> -> memref<100032x128xf32, #tpu.memory_space<hbm>>
      %dma_wait3A_331 = tpu.memref_slice %arg7[%dma_wait3A_321] : memref<5x!tpu.dma_semaphore, #tpu.memory_space<semaphore_mem>> -> memref<1x!tpu.dma_semaphore, #tpu.memory_space<semaphore_mem>>
      %dma_wait3A_332 = tpu.memref_squeeze %dma_wait3A_331 : memref<1x!tpu.dma_semaphore, #tpu.memory_space<semaphore_mem>> -> memref<!tpu.dma_semaphore, #tpu.memory_space<semaphore_mem>>
      tpu.wait_indirect_dma semaphore(%dma_wait3A_332 : memref<!tpu.dma_semaphore, #tpu.memory_space<semaphore_mem>>) src(%dma_wait3A_330 : memref<100032x128xf32, #tpu.memory_space<hbm>>) dst(%dma_wait3A_325 : memref<128x128xf32, #tpu.memory_space<vmem>>)
      %mul3A_333 = arith.constant 128 : i32
      %mul3A_334 = arith.muli %add3A_319, %mul3A_333 : i32
      %add3A_335 = arith.addi %mul3A_2, %mul3A_334 : i32
      %dma_start3A_336 = arith.constant 4 : i32
      %dma_start3A_337 = arith.constant 4 : i32
      %dma_start3A_338 = arith.constant 0 : i32
      %dma_start3A_339 = arith.constant 0 : i32
      %dma_start3A_340 = tpu.memref_slice %arg6[%dma_start3A_336, %dma_start3A_338, %dma_start3A_339] : memref<5x128x128xf32, #tpu.memory_space<vmem>> -> memref<1x128x128xf32, #tpu.memory_space<vmem>>
      %dma_start3A_341 = tpu.memref_squeeze %dma_start3A_340 : memref<1x128x128xf32, #tpu.memory_space<vmem>> -> memref<128x128xf32, #tpu.memory_space<vmem>>
      %dma_start3A_342 = arith.constant 0 : i32
      %dma_start3A_343 = tpu.memref_slice %arg4[%add3A_335, %dma_start3A_342] : memref<819200x128xf32, #tpu.memory_space<hbm>> -> memref<128x128xf32, #tpu.memory_space<hbm>>
      %dma_start3A_344 = tpu.memref_slice %arg8[%dma_start3A_337] : memref<5x!tpu.dma_semaphore, #tpu.memory_space<semaphore_mem>> -> memref<1x!tpu.dma_semaphore, #tpu.memory_space<semaphore_mem>>
      %dma_start3A_345 = tpu.memref_squeeze %dma_start3A_344 : memref<1x!tpu.dma_semaphore, #tpu.memory_space<semaphore_mem>> -> memref<!tpu.dma_semaphore, #tpu.memory_space<semaphore_mem>>
      %dma_start3A_346 = arith.constant 0 : i32
      %dma_start3A_347 = tpu.memref_slice %arg4[%add3A_335, %dma_start3A_346] : memref<819200x128xf32, #tpu.memory_space<hbm>> -> memref<128x128xf32, #tpu.memory_space<hbm>>
      %dma_start3A_348 = arith.constant 0 : i32
      %dma_start3A_349 = arith.constant 0 : i32
      %dma_start3A_350 = tpu.memref_slice %arg6[%dma_start3A_336, %dma_start3A_348, %dma_start3A_349] : memref<5x128x128xf32, #tpu.memory_space<vmem>> -> memref<1x128x128xf32, #tpu.memory_space<vmem>>
      %dma_start3A_351 = tpu.memref_squeeze %dma_start3A_350 : memref<1x128x128xf32, #tpu.memory_space<vmem>> -> memref<128x128xf32, #tpu.memory_space<vmem>>
      tpu.enqueue_dma source(%dma_start3A_351 : memref<128x128xf32, #tpu.memory_space<vmem>>) target(%dma_start3A_347 : memref<128x128xf32, #tpu.memory_space<hbm>>) target_semaphore(%dma_start3A_345 : memref<!tpu.dma_semaphore, #tpu.memory_space<semaphore_mem>>)
      %lt3A_352 = arith.constant 39 : i32
      %lt3A_353 = arith.cmpi slt, %scan3A_138, %lt3A_352 : i32
      %convert_element_type3A_354 = arith.extui %lt3A_353 : i1 to i32
      %cond3A_355 = arith.constant 0 : i32
      %cond3A_356 = arith.cmpi ne, %convert_element_type3A_354, %cond3A_355 : i32
      scf.if %cond3A_356 {
        %dma_wait3A_357 = arith.constant 3 : i32
        %dma_wait3A_358 = arith.constant 3 : i32
        %dma_wait3A_359 = arith.constant 0 : i32
        %dma_wait3A_360 = arith.constant 0 : i32
        %dma_wait3A_361 = tpu.memref_slice %arg6[%dma_wait3A_357, %dma_wait3A_359, %dma_wait3A_360] : memref<5x128x128xf32, #tpu.memory_space<vmem>> -> memref<1x128x128xf32, #tpu.memory_space<vmem>>
        %dma_wait3A_362 = tpu.memref_squeeze %dma_wait3A_361 : memref<1x128x128xf32, #tpu.memory_space<vmem>> -> memref<128x128xf32, #tpu.memory_space<vmem>>
        %dma_wait3A_363 = arith.constant 0 : i32
        %dma_wait3A_364 = tpu.memref_slice %arg4[%mul3A_2, %dma_wait3A_363] : memref<819200x128xf32, #tpu.memory_space<hbm>> -> memref<128x128xf32, #tpu.memory_space<hbm>>
        %dma_wait3A_365 = tpu.memref_slice %arg8[%dma_wait3A_358] : memref<5x!tpu.dma_semaphore, #tpu.memory_space<semaphore_mem>> -> memref<1x!tpu.dma_semaphore, #tpu.memory_space<semaphore_mem>>
        %dma_wait3A_366 = tpu.memref_squeeze %dma_wait3A_365 : memref<1x!tpu.dma_semaphore, #tpu.memory_space<semaphore_mem>> -> memref<!tpu.dma_semaphore, #tpu.memory_space<semaphore_mem>>
        %dma_wait3A_367 = arith.constant 0 : i32
        %dma_wait3A_368 = arith.constant 0 : i32
        %dma_wait3A_369 = tpu.memref_slice %arg6[%dma_wait3A_357, %dma_wait3A_367, %dma_wait3A_368] : memref<5x128x128xf32, #tpu.memory_space<vmem>> -> memref<1x128x128xf32, #tpu.memory_space<vmem>>
        %dma_wait3A_370 = tpu.memref_squeeze %dma_wait3A_369 : memref<1x128x128xf32, #tpu.memory_space<vmem>> -> memref<128x128xf32, #tpu.memory_space<vmem>>
        %dma_wait3A_371 = arith.constant 0 : i32
        %dma_wait3A_372 = tpu.memref_slice %arg4[%mul3A_2, %dma_wait3A_371] : memref<819200x128xf32, #tpu.memory_space<hbm>> -> memref<128x128xf32, #tpu.memory_space<hbm>>
        tpu.wait_dma2 semaphore(%dma_wait3A_366 : memref<!tpu.dma_semaphore, #tpu.memory_space<semaphore_mem>>) src(%dma_wait3A_372 : memref<128x128xf32, #tpu.memory_space<hbm>>) dst(%dma_wait3A_370 : memref<128x128xf32, #tpu.memory_space<vmem>>)
        %add3A_373 = arith.constant 5 : i32
        %add3A_374 = arith.addi %add3A_319, %add3A_373 : i32
        %sub3A_375 = arith.constant 1 : i32
        %sub3A_376 = arith.subi %add3A_374, %sub3A_375 : i32
        %mul3A_377 = arith.constant 128 : i32
        %mul3A_378 = arith.muli %sub3A_376, %mul3A_377 : i32
        %dma_start3A_379 = arith.constant 3 : i32
        %dma_start3A_380 = arith.constant 3 : i32
        %dma_start3A_381 = arith.constant 0 : i32
        %dma_start3A_382 = arith.constant 0 : i32
        %dma_start3A_383 = tpu.memref_slice %arg6[%dma_start3A_379, %dma_start3A_381, %dma_start3A_382] : memref<5x128x128xf32, #tpu.memory_space<vmem>> -> memref<1x128x128xf32, #tpu.memory_space<vmem>>
        %dma_start3A_384 = tpu.memref_squeeze %dma_start3A_383 : memref<1x128x128xf32, #tpu.memory_space<vmem>> -> memref<128x128xf32, #tpu.memory_space<vmem>>
        %dma_start3A_385 = tpu.memref_slice %arg5[%mul3A_378] : memref<25600xi32, #tpu.memory_space<vmem>> -> memref<128xi32, #tpu.memory_space<vmem>>
        %dma_start3A_386 = arith.constant 0 : i32
        %dma_start3A_387 = arith.constant 0 : i32
        %dma_start3A_388 = tpu.memref_slice %arg3[%dma_start3A_386, %dma_start3A_387] : memref<100032x128xf32, #tpu.memory_space<hbm>> -> memref<100032x128xf32, #tpu.memory_space<hbm>>
        %dma_start3A_389 = tpu.memref_slice %arg7[%dma_start3A_380] : memref<5x!tpu.dma_semaphore, #tpu.memory_space<semaphore_mem>> -> memref<1x!tpu.dma_semaphore, #tpu.memory_space<semaphore_mem>>
        %dma_start3A_390 = tpu.memref_squeeze %dma_start3A_389 : memref<1x!tpu.dma_semaphore, #tpu.memory_space<semaphore_mem>> -> memref<!tpu.dma_semaphore, #tpu.memory_space<semaphore_mem>>
        tpu.enqueue_indirect_dma source(%dma_start3A_388 : memref<100032x128xf32, #tpu.memory_space<hbm>>) target(%dma_start3A_384 : memref<128x128xf32, #tpu.memory_space<vmem>>) offsets(%dma_start3A_385 : memref<128xi32, #tpu.memory_space<vmem>>) semaphore(%dma_start3A_390 : memref<!tpu.dma_semaphore, #tpu.memory_space<semaphore_mem>>)
      } else {
      }
    }
    %scan3A_58 = arith.constant 40 : i32
    %dma_wait3A = arith.constant 0 : i32
    %dma_wait3A_59 = arith.constant 0 : i32
    %dma_wait3A_60 = arith.constant 0 : i32
    %dma_wait3A_61 = arith.constant 0 : i32
    %dma_wait3A_62 = tpu.memref_slice %arg6[%dma_wait3A, %dma_wait3A_60, %dma_wait3A_61] : memref<5x128x128xf32, #tpu.memory_space<vmem>> -> memref<1x128x128xf32, #tpu.memory_space<vmem>>
    %dma_wait3A_63 = tpu.memref_squeeze %dma_wait3A_62 : memref<1x128x128xf32, #tpu.memory_space<vmem>> -> memref<128x128xf32, #tpu.memory_space<vmem>>
    %dma_wait3A_64 = arith.constant 0 : i32
    %dma_wait3A_65 = tpu.memref_slice %arg4[%mul3A_2, %dma_wait3A_64] : memref<819200x128xf32, #tpu.memory_space<hbm>> -> memref<128x128xf32, #tpu.memory_space<hbm>>
    %dma_wait3A_66 = tpu.memref_slice %arg8[%dma_wait3A_59] : memref<5x!tpu.dma_semaphore, #tpu.memory_space<semaphore_mem>> -> memref<1x!tpu.dma_semaphore, #tpu.memory_space<semaphore_mem>>
    %dma_wait3A_67 = tpu.memref_squeeze %dma_wait3A_66 : memref<1x!tpu.dma_semaphore, #tpu.memory_space<semaphore_mem>> -> memref<!tpu.dma_semaphore, #tpu.memory_space<semaphore_mem>>
    %dma_wait3A_68 = arith.constant 0 : i32
    %dma_wait3A_69 = arith.constant 0 : i32
    %dma_wait3A_70 = tpu.memref_slice %arg6[%dma_wait3A, %dma_wait3A_68, %dma_wait3A_69] : memref<5x128x128xf32, #tpu.memory_space<vmem>> -> memref<1x128x128xf32, #tpu.memory_space<vmem>>
    %dma_wait3A_71 = tpu.memref_squeeze %dma_wait3A_70 : memref<1x128x128xf32, #tpu.memory_space<vmem>> -> memref<128x128xf32, #tpu.memory_space<vmem>>
    %dma_wait3A_72 = arith.constant 0 : i32
    %dma_wait3A_73 = tpu.memref_slice %arg4[%mul3A_2, %dma_wait3A_72] : memref<819200x128xf32, #tpu.memory_space<hbm>> -> memref<128x128xf32, #tpu.memory_space<hbm>>
    tpu.wait_dma2 semaphore(%dma_wait3A_67 : memref<!tpu.dma_semaphore, #tpu.memory_space<semaphore_mem>>) src(%dma_wait3A_73 : memref<128x128xf32, #tpu.memory_space<hbm>>) dst(%dma_wait3A_71 : memref<128x128xf32, #tpu.memory_space<vmem>>)
    %dma_wait3A_74 = arith.constant 1 : i32
    %dma_wait3A_75 = arith.constant 1 : i32
    %dma_wait3A_76 = arith.constant 0 : i32
    %dma_wait3A_77 = arith.constant 0 : i32
    %dma_wait3A_78 = tpu.memref_slice %arg6[%dma_wait3A_74, %dma_wait3A_76, %dma_wait3A_77] : memref<5x128x128xf32, #tpu.memory_space<vmem>> -> memref<1x128x128xf32, #tpu.memory_space<vmem>>
    %dma_wait3A_79 = tpu.memref_squeeze %dma_wait3A_78 : memref<1x128x128xf32, #tpu.memory_space<vmem>> -> memref<128x128xf32, #tpu.memory_space<vmem>>
    %dma_wait3A_80 = arith.constant 0 : i32
    %dma_wait3A_81 = tpu.memref_slice %arg4[%mul3A_2, %dma_wait3A_80] : memref<819200x128xf32, #tpu.memory_space<hbm>> -> memref<128x128xf32, #tpu.memory_space<hbm>>
    %dma_wait3A_82 = tpu.memref_slice %arg8[%dma_wait3A_75] : memref<5x!tpu.dma_semaphore, #tpu.memory_space<semaphore_mem>> -> memref<1x!tpu.dma_semaphore, #tpu.memory_space<semaphore_mem>>
    %dma_wait3A_83 = tpu.memref_squeeze %dma_wait3A_82 : memref<1x!tpu.dma_semaphore, #tpu.memory_space<semaphore_mem>> -> memref<!tpu.dma_semaphore, #tpu.memory_space<semaphore_mem>>
    %dma_wait3A_84 = arith.constant 0 : i32
    %dma_wait3A_85 = arith.constant 0 : i32
    %dma_wait3A_86 = tpu.memref_slice %arg6[%dma_wait3A_74, %dma_wait3A_84, %dma_wait3A_85] : memref<5x128x128xf32, #tpu.memory_space<vmem>> -> memref<1x128x128xf32, #tpu.memory_space<vmem>>
    %dma_wait3A_87 = tpu.memref_squeeze %dma_wait3A_86 : memref<1x128x128xf32, #tpu.memory_space<vmem>> -> memref<128x128xf32, #tpu.memory_space<vmem>>
    %dma_wait3A_88 = arith.constant 0 : i32
    %dma_wait3A_89 = tpu.memref_slice %arg4[%mul3A_2, %dma_wait3A_88] : memref<819200x128xf32, #tpu.memory_space<hbm>> -> memref<128x128xf32, #tpu.memory_space<hbm>>
    tpu.wait_dma2 semaphore(%dma_wait3A_83 : memref<!tpu.dma_semaphore, #tpu.memory_space<semaphore_mem>>) src(%dma_wait3A_89 : memref<128x128xf32, #tpu.memory_space<hbm>>) dst(%dma_wait3A_87 : memref<128x128xf32, #tpu.memory_space<vmem>>)
    %dma_wait3A_90 = arith.constant 2 : i32
    %dma_wait3A_91 = arith.constant 2 : i32
    %dma_wait3A_92 = arith.constant 0 : i32
    %dma_wait3A_93 = arith.constant 0 : i32
    %dma_wait3A_94 = tpu.memref_slice %arg6[%dma_wait3A_90, %dma_wait3A_92, %dma_wait3A_93] : memref<5x128x128xf32, #tpu.memory_space<vmem>> -> memref<1x128x128xf32, #tpu.memory_space<vmem>>
    %dma_wait3A_95 = tpu.memref_squeeze %dma_wait3A_94 : memref<1x128x128xf32, #tpu.memory_space<vmem>> -> memref<128x128xf32, #tpu.memory_space<vmem>>
    %dma_wait3A_96 = arith.constant 0 : i32
    %dma_wait3A_97 = tpu.memref_slice %arg4[%mul3A_2, %dma_wait3A_96] : memref<819200x128xf32, #tpu.memory_space<hbm>> -> memref<128x128xf32, #tpu.memory_space<hbm>>
    %dma_wait3A_98 = tpu.memref_slice %arg8[%dma_wait3A_91] : memref<5x!tpu.dma_semaphore, #tpu.memory_space<semaphore_mem>> -> memref<1x!tpu.dma_semaphore, #tpu.memory_space<semaphore_mem>>
    %dma_wait3A_99 = tpu.memref_squeeze %dma_wait3A_98 : memref<1x!tpu.dma_semaphore, #tpu.memory_space<semaphore_mem>> -> memref<!tpu.dma_semaphore, #tpu.memory_space<semaphore_mem>>
    %dma_wait3A_100 = arith.constant 0 : i32
    %dma_wait3A_101 = arith.constant 0 : i32
    %dma_wait3A_102 = tpu.memref_slice %arg6[%dma_wait3A_90, %dma_wait3A_100, %dma_wait3A_101] : memref<5x128x128xf32, #tpu.memory_space<vmem>> -> memref<1x128x128xf32, #tpu.memory_space<vmem>>
    %dma_wait3A_103 = tpu.memref_squeeze %dma_wait3A_102 : memref<1x128x128xf32, #tpu.memory_space<vmem>> -> memref<128x128xf32, #tpu.memory_space<vmem>>
    %dma_wait3A_104 = arith.constant 0 : i32
    %dma_wait3A_105 = tpu.memref_slice %arg4[%mul3A_2, %dma_wait3A_104] : memref<819200x128xf32, #tpu.memory_space<hbm>> -> memref<128x128xf32, #tpu.memory_space<hbm>>
    tpu.wait_dma2 semaphore(%dma_wait3A_99 : memref<!tpu.dma_semaphore, #tpu.memory_space<semaphore_mem>>) src(%dma_wait3A_105 : memref<128x128xf32, #tpu.memory_space<hbm>>) dst(%dma_wait3A_103 : memref<128x128xf32, #tpu.memory_space<vmem>>)
    %dma_wait3A_106 = arith.constant 3 : i32
    %dma_wait3A_107 = arith.constant 3 : i32
    %dma_wait3A_108 = arith.constant 0 : i32
    %dma_wait3A_109 = arith.constant 0 : i32
    %dma_wait3A_110 = tpu.memref_slice %arg6[%dma_wait3A_106, %dma_wait3A_108, %dma_wait3A_109] : memref<5x128x128xf32, #tpu.memory_space<vmem>> -> memref<1x128x128xf32, #tpu.memory_space<vmem>>
    %dma_wait3A_111 = tpu.memref_squeeze %dma_wait3A_110 : memref<1x128x128xf32, #tpu.memory_space<vmem>> -> memref<128x128xf32, #tpu.memory_space<vmem>>
    %dma_wait3A_112 = arith.constant 0 : i32
    %dma_wait3A_113 = tpu.memref_slice %arg4[%mul3A_2, %dma_wait3A_112] : memref<819200x128xf32, #tpu.memory_space<hbm>> -> memref<128x128xf32, #tpu.memory_space<hbm>>
    %dma_wait3A_114 = tpu.memref_slice %arg8[%dma_wait3A_107] : memref<5x!tpu.dma_semaphore, #tpu.memory_space<semaphore_mem>> -> memref<1x!tpu.dma_semaphore, #tpu.memory_space<semaphore_mem>>
    %dma_wait3A_115 = tpu.memref_squeeze %dma_wait3A_114 : memref<1x!tpu.dma_semaphore, #tpu.memory_space<semaphore_mem>> -> memref<!tpu.dma_semaphore, #tpu.memory_space<semaphore_mem>>
    %dma_wait3A_116 = arith.constant 0 : i32
    %dma_wait3A_117 = arith.constant 0 : i32
    %dma_wait3A_118 = tpu.memref_slice %arg6[%dma_wait3A_106, %dma_wait3A_116, %dma_wait3A_117] : memref<5x128x128xf32, #tpu.memory_space<vmem>> -> memref<1x128x128xf32, #tpu.memory_space<vmem>>
    %dma_wait3A_119 = tpu.memref_squeeze %dma_wait3A_118 : memref<1x128x128xf32, #tpu.memory_space<vmem>> -> memref<128x128xf32, #tpu.memory_space<vmem>>
    %dma_wait3A_120 = arith.constant 0 : i32
    %dma_wait3A_121 = tpu.memref_slice %arg4[%mul3A_2, %dma_wait3A_120] : memref<819200x128xf32, #tpu.memory_space<hbm>> -> memref<128x128xf32, #tpu.memory_space<hbm>>
    tpu.wait_dma2 semaphore(%dma_wait3A_115 : memref<!tpu.dma_semaphore, #tpu.memory_space<semaphore_mem>>) src(%dma_wait3A_121 : memref<128x128xf32, #tpu.memory_space<hbm>>) dst(%dma_wait3A_119 : memref<128x128xf32, #tpu.memory_space<vmem>>)
    %dma_wait3A_122 = arith.constant 4 : i32
    %dma_wait3A_123 = arith.constant 4 : i32
    %dma_wait3A_124 = arith.constant 0 : i32
    %dma_wait3A_125 = arith.constant 0 : i32
    %dma_wait3A_126 = tpu.memref_slice %arg6[%dma_wait3A_122, %dma_wait3A_124, %dma_wait3A_125] : memref<5x128x128xf32, #tpu.memory_space<vmem>> -> memref<1x128x128xf32, #tpu.memory_space<vmem>>
    %dma_wait3A_127 = tpu.memref_squeeze %dma_wait3A_126 : memref<1x128x128xf32, #tpu.memory_space<vmem>> -> memref<128x128xf32, #tpu.memory_space<vmem>>
    %dma_wait3A_128 = arith.constant 0 : i32
    %dma_wait3A_129 = tpu.memref_slice %arg4[%mul3A_2, %dma_wait3A_128] : memref<819200x128xf32, #tpu.memory_space<hbm>> -> memref<128x128xf32, #tpu.memory_space<hbm>>
    %dma_wait3A_130 = tpu.memref_slice %arg8[%dma_wait3A_123] : memref<5x!tpu.dma_semaphore, #tpu.memory_space<semaphore_mem>> -> memref<1x!tpu.dma_semaphore, #tpu.memory_space<semaphore_mem>>
    %dma_wait3A_131 = tpu.memref_squeeze %dma_wait3A_130 : memref<1x!tpu.dma_semaphore, #tpu.memory_space<semaphore_mem>> -> memref<!tpu.dma_semaphore, #tpu.memory_space<semaphore_mem>>
    %dma_wait3A_132 = arith.constant 0 : i32
    %dma_wait3A_133 = arith.constant 0 : i32
    %dma_wait3A_134 = tpu.memref_slice %arg6[%dma_wait3A_122, %dma_wait3A_132, %dma_wait3A_133] : memref<5x128x128xf32, #tpu.memory_space<vmem>> -> memref<1x128x128xf32, #tpu.memory_space<vmem>>
    %dma_wait3A_135 = tpu.memref_squeeze %dma_wait3A_134 : memref<1x128x128xf32, #tpu.memory_space<vmem>> -> memref<128x128xf32, #tpu.memory_space<vmem>>
    %dma_wait3A_136 = arith.constant 0 : i32
    %dma_wait3A_137 = tpu.memref_slice %arg4[%mul3A_2, %dma_wait3A_136] : memref<819200x128xf32, #tpu.memory_space<hbm>> -> memref<128x128xf32, #tpu.memory_space<hbm>>
    tpu.wait_dma2 semaphore(%dma_wait3A_131 : memref<!tpu.dma_semaphore, #tpu.memory_space<semaphore_mem>>) src(%dma_wait3A_137 : memref<128x128xf32, #tpu.memory_space<hbm>>) dst(%dma_wait3A_135 : memref<128x128xf32, #tpu.memory_space<vmem>>)
    return
  }
}

</mosaic_0001>

<sc_bundles>
// kernel: kernel.3.cloned.1.call-start
scs
__scs_entry_jumppad:
0x0: {  	(pc) =	sbr.rel $0x88, $3  }
0x1: {  	(tag) =	ssettag $0x0;
	lr =	simm.s32 $0x1  }
0x2: {  	[smem:$0x3F9F] =	sst lr;
	_ =	strace $0xD0000000  }
0x3: {  	_ = 	snop  }
0x4: {  	_ = 	snop  }
0x5: {  	_ = 	snop  }
0x6: {  	_ = 	snop  }
0x7: {  	_ = 	snop  }
__scs_overlays_trampoline_lowered:
0x8: {  	[smem:$0x3FAE] =	sst s0  }
0x9: {  	[smem:$0x3FAF] =	sst s1  }
0xa: {  	[smem:$0x3FB0] =	sst s2  }
0xb: {  	[smem:$0x3FB1] =	sst s3  }
0xc: {  	[smem:$0x3FB2] =	sst s4  }
0xd: {  	[smem:$0x3FB3] =	sst s5  }
0xe: {  	[smem:$0x3FB4] =	sst s6  }
0xf: {  	[smem:$0x3FB5] =	sst s7  }
0x10: {  	[smem:$0x3FB6] =	sst s8  }
0x11: {  	[smem:$0x3FB7] =	sst s9;
	s0 =	simm.s32 @!p0 $0x0  }
0x12: {  	s1 =	sld [smem:$0x3F9D];
	s0 =	simm.s32 @p0 $0x1  }
0x13: {  	[smem:$0x3FB8] =	sst s0;
	s0 =	simm.s32 @!p1 $0x0  }
0x14: {  	s2 =	sld [smem:$0x3F9C];
	s0 =	simm.s32 @p1 $0x1  }
0x15: {  	[smem:$0x3FB9] =	sst s0;
	s0 =	simm.s32 @!p2 $0x0  }
0x16: {  	s3 =	sld [smem:$0x3FDB];
	s0 =	simm.s32 @p2 $0x1  }
0x17: {  	s4 =	simm.s32 $0x1BF5;
	[smem:$0x3FBB] =	sst s0  }
0x18: {  	s0 =	sld [smem:$0x3F9E];
	_ =	swait.ge [sflag:s4], $0x0  }
0x19: {  	s7 =	sld [smem:$0x3F9F]  }
0x1a: {  	s8 =	sadd.s32 $0xFFFFE003, lr  }
0x1b: {  	s9 =	sadd.s32 $0xFFFFFEF7, lr;
	s5 =	simm.s32 $0xFFFFFFFF;
	p2 =	slt.u32 s8, $0xFFFFF086  }
0x1c: {  	p1 =	slt.u32 s9, $0xF7A;
	s5 =	simm.s32 @!p2 $0x0  }
0x1d: {  	s5 =	simm.s32 @p1 $0x1;
	p0 =	seq.s32 s7, s2  }
0x1e: {  	s7 =	smul.u32 @!p0 $0xF7A, s2;
	p2 =	seq.s32 @!p0 s5, $0x0  }
0x1f: {  	s9 =	smul.u32 $0xF7A, s1;
	s8 =	simm.s32 @!p0 $0x1BF5;
	p2 =	por !p2, p0  }
0x20: {  	[sflag:s8] =	ssyncset.s32 @!p0 $0xFFFFF086;
	s6 =	sadd.s32 @!p0 s3, s7;
	s7 =	simm.s32 @!p0 $0x108  }
0x21: {  	s3 =	sadd.s32 s3, s9;
	s6 =	sadd.s32 @!p0 $0x88, s6;
	s7 =	simm.s32 @p2 $0x1082  }
0x22: {  	[simem:s7], [sflag:s8] =	dma.local @!p0 [hbm:s6], $0xF7A  }
0x23: {  	s9 =	sor.u32 $0xD0000000, s2;
	s6 =	simm.s32 $0x108;
	_ =	swait.ge @!p0 [sflag:s8], $0x0  }
0x24: {  	s3 =	sadd.s32 $0x88, s3;
	s6 =	simm.s32 @!p1 $0x1082;
	[sflag:s4] =	ssyncset.s32 $0xFFFFF086  }
0x25: {  	[simem:s6], [sflag:s4] =	dma.local [hbm:s3], $0xF7A  }
0x26: {  	[smem:$0x3F9F] =	sst s1;
	(tag) =	ssettag s2;
	_ =	strace s9  }
0x27: {  	s1 =	sld [smem:$0x3FAF]  }
0x28: {  	s2 =	sld [smem:$0x3FB0]  }
0x29: {  	s4 =	sld [smem:$0x3FB2]  }
0x2a: {  	p0 =	seq.s32 s5, $0x0;
	s5 =	sld [smem:$0x3FB3]  }
0x2b: {  	s6 =	sld [smem:$0x3FB4]  }
0x2c: {  	s7 =	sld [smem:$0x3FB5]  }
0x2d: {  	s3 =	simm.s32 $0x108;
	s8 =	sld [smem:$0x3FB6]  }
0x2e: {  	s3 =	simm.s32 @!p0 $0x1082;
	s9 =	sld [smem:$0x3FB7]  }
0x2f: {  	lr =	sadd.s32 s0, s3;
	s0 =	sld [smem:$0x3FAE]  }
0x30: {  	s3 =	sld [smem:$0x3FB1]  }
0x31: {  	[smem:$0x3FBA] =	sst s10  }
0x32: {  	s10 =	sld [smem:$0x3FB8];
	_ =	sdelay $0x3  }
0x33: {  	p0 =	seq.s32 s10, $0x1;
	s10 =	sld [smem:$0x3FBA];
	_ =	sdelay $0x3  }
0x34: {  	[smem:$0x3FBA] =	sst s10  }
0x35: {  	s10 =	sld [smem:$0x3FB9];
	_ =	sdelay $0x3  }
0x36: {  	p1 =	seq.s32 s10, $0x1;
	s10 =	sld [smem:$0x3FBA];
	_ =	sdelay $0x3  }
0x37: {  	[smem:$0x3FBA] =	sst s10  }
0x38: {  	s10 =	sld [smem:$0x3FBB]  }
0x39: {  	_ = 	snop;
	(pc) =	sbr.ind lr, $3  }
0x3a: {  	_ = 	snop  }
0x3b: {  	_ = 	snop  }
0x3c: {  	p2 =	seq.s32 s10, $0x1;
	s10 =	sld [smem:$0x3FBA]  }
0x3d: {  	_ =	shalt  }
0x3e: {  	_ =	shalt  }
0x3f: {  	_ =	shalt  }
0x40: {  	_ =	shalt  }
0x41: {  	_ =	shalt  }
0x42: {  	_ =	shalt  }
0x43: {  	_ =	shalt  }
0x44: {  	_ =	shalt  }
0x45: {  	_ =	shalt  }
0x46: {  	_ =	shalt  }
0x47: {  	_ =	shalt  }
0x48: {  	_ =	shalt  }
0x49: {  	_ =	shalt  }
0x4a: {  	_ =	shalt  }
0x4b: {  	_ =	shalt  }
0x4c: {  	_ =	shalt  }
0x4d: {  	_ =	shalt  }
0x4e: {  	_ =	shalt  }
0x4f: {  	_ =	shalt  }
0x50: {  	_ =	shalt  }
0x51: {  	_ =	shalt  }
0x52: {  	_ =	shalt  }
0x53: {  	_ =	shalt  }
0x54: {  	_ =	shalt  }
0x55: {  	_ =	shalt  }
0x56: {  	_ =	shalt  }
0x57: {  	_ =	shalt  }
0x58: {  	_ =	shalt  }
0x59: {  	_ =	shalt  }
0x5a: {  	_ =	shalt  }
0x5b: {  	_ =	shalt  }
0x5c: {  	_ =	shalt  }
0x5d: {  	_ =	shalt  }
0x5e: {  	_ =	shalt  }
0x5f: {  	_ =	shalt  }
0x60: {  	_ =	shalt  }
0x61: {  	_ =	shalt  }
0x62: {  	_ =	shalt  }
0x63: {  	_ =	shalt  }
0x64: {  	_ =	shalt  }
0x65: {  	_ =	shalt  }
0x66: {  	_ =	shalt  }
0x67: {  	_ =	shalt  }
0x68: {  	_ =	shalt  }
0x69: {  	_ =	shalt  }
0x6a: {  	_ =	shalt  }
0x6b: {  	_ =	shalt  }
0x6c: {  	_ =	shalt  }
0x6d: {  	_ =	shalt  }
0x6e: {  	_ =	shalt  }
0x6f: {  	_ =	shalt  }
0x70: {  	_ =	shalt  }
0x71: {  	_ =	shalt  }
0x72: {  	_ =	shalt  }
0x73: {  	_ =	shalt  }
0x74: {  	_ =	shalt  }
0x75: {  	_ =	shalt  }
0x76: {  	_ =	shalt  }
0x77: {  	_ =	shalt  }
0x78: {  	_ =	shalt  }
0x79: {  	_ =	shalt  }
0x7a: {  	_ =	shalt  }
0x7b: {  	_ =	shalt  }
0x7c: {  	_ =	shalt  }
0x7d: {  	_ =	shalt  }
0x7e: {  	_ =	shalt  }
0x7f: {  	_ =	shalt  }
0x80: {  	_ =	shalt  }
0x81: {  	_ =	shalt  }
0x82: {  	_ =	shalt  }
0x83: {  	_ =	shalt  }
0x84: {  	_ =	shalt  }
0x85: {  	_ =	shalt  }
0x86: {  	_ =	shalt  }
0x87: {  	_ =	shalt  }
.Lfunc_end0:
.L_simem_size_0:
called_computation_lowered:
.L_overlay_start_0:
0x88: {  	s2 =	sld [smem:$0x3FD9]  }
0x89: {  	s3 =	sld [smem:$0x3FFE];
	_ =	sdelay $0x1  }
0x8a: {  	s1 =	srdreg.scid  }
0x8b: {  	s0 =	sand.u32 $0x1, s1  }
0x8c: {  	s17 =	sshll.u32 s0, $0xA;
	s2 =	sadd.s32 s3, s2  }
0x8d: {  	s2 =	sadd.s32 s2, s17  }
0x8e: {  	[smem:$0x3FC6] =	sst s2  }
0x8f: {  	_ = 	snop  }
0x90: {  	s2 =	sld [smem:$0x3FC8]  }
0x91: {  	s18 =	sld [smem:$0x3FD0];
	(tm) =	ssettm $0x1  }
0x92: {  	s4 =	sld [smem:$0x3FFB];
	_ =	sdelay $0x3  }
0x93: {  	_ =	strace s4  }
0x94: {  	s4 =	sld [smem:$0x3FFC];
	_ =	sdelay $0x3  }
0x95: {  	_ =	strace s4  }
0x96: {  	s4 =	sld [smem:$0x3FFD];
	_ =	sdelay $0x3  }
0x97: {  	_ =	strace s4  }
0x98: {  	_ =	strace $0x8FFFFFFF  }
0x99: {  	s19 =	sld [smem:$0x3FDB];
	_ =	sdelay $0x1  }
0x9a: {  	s5 =	simm.s32 $_scs_section_size  }
0x9b: {  	s6 =	simm.s32 $_size__tile_overlayer_lowered;
	s7 =	simm.s32 $_tile_overlayer_lowered  }
0x9c: {  	s22 =	simm.s32 $0x1BFF;
	s21 =	sshll.u32 s7, $0x1;
	s4 =	sadd.s32 s5, s19  }
0x9d: {  	s8 =	simm.s32 $0x0;
	s20 =	sshll.u32 s6, $0x1;
	s6 =	sadd.s32 s21, s4  }
0x9e: {  	[timem:s8], [sflag:s22] =	dma.local [hbm:s6], s20  }
0x9f: {  	_ =	swait.ge [sflag:s22], s20  }
0xa0: {  	s5 =	ssub.s32 $0x0, s20;
	[sflag:s22] =	ssyncset.done $0x0  }
0xa1: {  	[sflag:s22] =	ssyncadd.s32 s5;
	_ =	sdelay $0x1  }
0xa2: {  	s23 =	simm.s32 $0x1B8B  }
0xa3: {  	_ =	swait.ge [sflag:s23], $0x1  }
0xa4: {  	[sflag:s23] =	ssyncset.done $0x0  }
0xa5: {  	s25 =	simm.s32 $0x1B8E;
	s24 =	sld [smem:$0x3FFE];
	[sflag:s23] =	ssyncadd.s32 $0xFFFFFFFF  }
0xa6: {  	s26 =	simm.s32 $execute0_lowered;
	[smem:$0x3FD2] =	sst s25  }
0xa7: {  	s6 =	sshll.u32 s26, $0x1;
	_ =	strace $0x80000046;
	[dreg:$0x1] =	wrdreg $0xFFFFFFFF  }
0xa8: {  	s28 =	simm.s32 $_size_execute0_lowered;
	s4 =	sadd.s32 s4, s6;
	[dreg:$0x0] =	wrdreg $0x0  }
0xa9: {  	s6 =	sshll.u32 s28, $0x1;
	[dreg:$0x2] =	wrdreg s4  }
0xaa: {  	[dreg:$0x3] =	wrdreg s6  }
0xab: {  	[dreg:$0x4] =	wrdreg $0xC0  }
0xac: {  	_ =	task [dreg:s8], $0x5FFFF  }
0xad: {  	[dreg:$0x1] =	wrdreg $0xFFFFFFFF  }
0xae: {  	[dreg:$0x0] =	wrdreg $0x60  }
0xaf: {  	[dreg:$0x2] =	wrdreg s24  }
0xb0: {  	[dreg:$0x3] =	wrdreg s2  }
0xb1: {  	[dreg:$0x4] =	wrdreg s18  }
0xb2: {  	[dreg:$0x5] =	wrdreg $0x9  }
0xb3: {  	_ =	task.clear_ibuf [dreg:s8], $0x6FFFF;
	_ =	strace $0x90000046  }
0xb4: {  	s29 =	simm.s32 $0x9;
	_ =	strace $0x80000048  }
0xb5: {  	_ =	swait.ge [sflag:s29], $0x1  }
0xb6: {  	[sflag:s29] =	ssyncadd.s32 $0xFFFFFFFF  }
0xb7: {  	_ =	strace $0x90000048  }
0xb8: {  	_ =	sfence  }
0xb9: {  	s30 =	sld [smem:$0x0];
	_ =	sdelay $0x2  }
0xba: {  	s31 =	sshll.u32 s1, $0xD;
	s1 =	sshrl.u32 s1, $0x2  }
0xbb: {  	s3 =	sand.u32 $0x4000, s31;
	s1 =	sadd.s32 s1, s30  }
0xbc: {  	s0 =	sor.u32 s3, s0;
	s1 =	sshll.u32 s1, $0x11  }
0xbd: {  	s0 =	sor.u32 s1, s0  }
0xbe: {  	s0 =	sadd.s32 $0x8F2B, s0  }
0xbf: {  	[sflag:s0] =	ssyncadd.remote.s32 $0x1  }
0xc0: {  	_ =	sfence.sel $0xFFFF  }
0xc1: {  	[dreg:$0x0] =	wrdreg $0xFFFFFFFF;
	(pc) =	sbr.abs _section_cstart, $3  }
0xc2: {  	[dreg:$0x1] =	wrdreg $0xFFFFFFFF  }
0xc3: {  	_ =	task.clear_ibuf [dreg:s8], $0x2FFFF;
	_ =	strace $0x9FFFFFFF  }
0xc4: {  	(tm) =	ssettm $0x7FFFFFFF  }
0xc5: {  	_ =	shalt  }
tec
execute0_lowered:
.L_overlay_start_1:
0x0: {  	(tag) =	ssettag $0x1  }
0x1: {  	s4 =	rddreg [dreg:$0x0]  }
0x2: {  	s2 =	rddreg [dreg:$0x1]  }
0x3: {  	s1 =	srdreg.scid;
	s0 =	stileid.u32  }
0x4: {  	s6 =	rddreg [dreg:$0x2];
	s3 =	simm.s32 $0x0;
	s13 =	simm.s32 $0xE400  }
0x5: {  	s14 =	simm.s32 $0x180;
	s15 =	simm.s32 $0x12400;
	s16 =	simm.s32 $0x1  }
0x6: {  	s17 =	simm.s32 $0x16400;
	s18 =	simm.s32 $0x2;
	s19 =	simm.s32 $0x4  }
0x7: {  	s20 =	simm.s32 $0x5;
	s21 =	simm.s32 $0x6;
	s22 =	simm.s32 $0x7  }
0x8: {  	s23 =	simm.s32 $0x8;
	s24 =	simm.s32 $0x9;
	s25 =	simm.s32 $0xA  }
0x9: {  	s5 =	sand.u32 $0x1, s1;
	s7 =	sshll.u32 s0, $0x1;
	s10 =	smul.u32 $0xC8000, s0  }
0xa: {  	s26 =	simm.s32 $0x0;
	s7 =	sor.u32 s5, s7;
	s11 =	smul.u32 $0x64000, s5  }
0xb: {  	[smem:$0x7FF] =	sst s3;
	s9 =	ssub.s32 $0x2, s5;
	s8 =	smul.u32 $0x6400, s7  }
0xc: {  	_ =	strace $0x80000047;
	s7 =	smul.u32 $0x64000, s7;
	s28 =	sshrl.u32 s9, $0x1  }
.Ltmp0:
0xd: {  	s30 =	sadd.s32 s10, s6;
	s10 =	simm.s32 $0x6400;
	(pc) =	sbr.rel .LBB2_1-.Ltmp0, $4  }
0xe: {  	s29 =	ssub.s32 s9, s28;
	s31 =	sadd.s32 s11, s30;
	s9 =	simm.s32 $0x80  }
0xf: {  	s11 =	simm.s32 $0xA400;
	s8 =	sshrl.u32 s8, $0x3;
	s5 =	smax.u32 s29, $0x1  }
0x10: {  	s6 =	sadd.s32 s6, s7;
	s7 =	sadd.s32 $0x1000, s31;
	s4 =	sadd.s32 s8, s4  }
0x11: {  	s6 =	sadd.s32 $0x62800, s6;
	s8 =	simm.s32 $0xB;
	s4 =	sadd.s32 $0x400, s4  }
.LBB2_4:
0x12: {  	_ =	swait.ge [sflag:s20], $0x4000  }
0x13: {  	[sflag:s20] =	ssyncset.done $0x0  }
0x14: {  	[sflag:s20] =	ssyncadd.s32 $0xFFFFC000  }
0x15: {  	[hbm4b:s31+s3] =	stream.linear.scatter [tilespmem:s17], [sflag:$0xA], $0x4000, $0x38;
	[tilespmem:$0x1A400] =	vst v63  }
0x16: {  	_ =	swait.ge [sflag:s21], $0x4000  }
0x17: {  	[sflag:s21] =	ssyncset.done $0x0  }
0x18: {  	[sflag:s21] =	ssyncadd.s32 $0xFFFFC000  }
0x19: {  	_ =	swait.ge [sflag:s22], $0x4000  }
0x1a: {  	[sflag:s22] =	ssyncset.done $0x0  }
0x1b: {  	[sflag:s22] =	ssyncadd.s32 $0xFFFFC000  }
0x1c: {  	_ =	swait.ge [sflag:s23], $0x4000  }
0x1d: {  	[sflag:s23] =	ssyncset.done $0x0  }
0x1e: {  	s26 =	sadd.s32 $0x1, s26;
	[sflag:s23] =	ssyncadd.s32 $0xFFFFC000  }
0x1f: {  	p0 =	sne.s32 s26, s5;
	_ =	swait.ge [sflag:s24], $0x4000  }
.Ltmp1:
0x20: {  	[sflag:s24] =	ssyncset.done $0x0;
	(pc) =	sbr.rel @!p0 .LBB2_5-.Ltmp1, $4  }
0x21: {  	[sflag:s24] =	ssyncadd.s32 $0xFFFFC000  }
0x22: {  	_ =	swait.ge [sflag:s25], $0x4000  }
0x23: {  	[sflag:s25] =	ssyncset.done $0x0  }
0x24: {  	[sflag:s25] =	ssyncadd.s32 $0xFFFFC000  }
.LBB2_1:
0x25: {  	[tilespmem:s3], [sflag:$0xB] =	stream.linear.gather [hbm4b:s4+s3], $0x6400, $0x38;
	[tilespmem:$0x1A400] =	vst v63  }
0x26: {  	_ =	swait.ge [sflag:s8], $0x6400  }
0x27: {  	[sflag:s8] =	ssyncset.done $0x0  }
0x28: {  	[sflag:s8] =	ssyncadd.s32 $0xFFFF9C00  }
0x29: {  	[tilespmem:s10], [sflag:$0x1] =	stream.indirect.gather [hbm4b:s2+s9], $0x80, s3, s9, $0xb8;
	[tilespmem:$0x1A400] =	vst v63  }
0x2a: {  	_ = 	snop  }
0x2b: {  	[tilespmem:s11], [sflag:$0x2] =	stream.indirect.gather [hbm4b:s2+s9], $0x80, s9, s9, $0xb8;
	[tilespmem:$0x1A400] =	vst v63  }
0x2c: {  	s0 =	simm.s32 $0x100  }
0x2d: {  	[tilespmem:s13], [sflag:$0x3] =	stream.indirect.gather [hbm4b:s2+s9], $0x80, s0, s9, $0xb8;
	[tilespmem:$0x1A400] =	vst v63  }
0x2e: {  	s28 =	smov.u32 s7;
	s29 =	simm.s32 $0x0  }
0x2f: {  	[tilespmem:s15], [sflag:$0x4] =	stream.indirect.gather [hbm4b:s2+s9], $0x80, s14, s9, $0xb8;
	[tilespmem:$0x1A400] =	vst v63  }
.LBB2_2:
0x30: {  	_ =	swait.ge [sflag:s16], $0x4000  }
0x31: {  	p0 =	seq.s32 s29, $0x0;
	[sflag:s16] =	ssyncset.done $0x0  }
0x32: {  	s30 =	sadd.s32 $0xFFFFF000, s28;
	s31 =	simm.s32 @!p0 $0xA;
	[sflag:s16] =	ssyncadd.s32 $0xFFFFC000  }
0x33: {  	[hbm4b:s30+s3] =	stream.linear.scatter [tilespmem:s10], [sflag:$0x6], $0x4000, $0x38;
	[tilespmem:$0x1A400] =	vst v63  }
0x34: {  	_ =	swait.ge @!p0 [sflag:s31], $0x4000  }
0x35: {  	s30 =	sshra.s32 s29, $0x2;
	[sflag:s31] =	ssyncset.done @!p0 $0x0  }
0x36: {  	[sflag:s31] =	ssyncadd.s32 @!p0 $0xFFFFC000;
	s31 =	sadd.s32 $0x200, s30  }
0x37: {  	[tilespmem:s17], [sflag:$0x5] =	stream.indirect.gather [hbm4b:s2+s9], $0x80, s31, s9, $0xb8;
	[tilespmem:$0x1A400] =	vst v63  }
0x38: {  	_ =	swait.ge [sflag:s18], $0x4000  }
0x39: {  	[sflag:s18] =	ssyncset.done $0x0  }
0x3a: {  	p0 =	seq.s32 s29, $0x18600;
	s31 =	sadd.s32 $0xFFFFF800, s28;
	[sflag:s18] =	ssyncadd.s32 $0xFFFFC000  }
0x3b: {  	[hbm4b:s31+s3] =	stream.linear.scatter [tilespmem:s11], [sflag:$0x7], $0x4000, $0x38;
	[tilespmem:$0x1A400] =	vst v63  }
0x3c: {  	s31 =	simm.s32 @p0 $0x3  }
0x3d: {  	_ =	swait.ge @p0 [sflag:s31], $0x4000  }
0x3e: {  	[sflag:s31] =	ssyncset.done @p0 $0x0  }
0x3f: {  	s1 =	simm.s32 @p0 $0xE400;
	[sflag:s31] =	ssyncadd.s32 @p0 $0xFFFFC000;
	s31 =	simm.s32 @p0 $0x0  }
0x40: {  	[hbm4b:s6+s31] =	stream.linear.scatter @p0 [tilespmem:s1], [sflag:$0x8], $0x4000, $0x38;
	[tilespmem:$0x1A400] =	vst v63  }
0x41: {  	s1 =	simm.s32 @!p0 $0x6  }
0x42: {  	_ =	swait.ge @!p0 [sflag:s1], $0x4000  }
0x43: {  	[sflag:s1] =	ssyncset.done @!p0 $0x0  }
0x44: {  	[sflag:s1] =	ssyncadd.s32 @!p0 $0xFFFFC000;
	s1 =	sshra.s32 @!p0 s29, $0x2  }
0x45: {  	s0 =	simm.s32 @!p0 $0x80;
	s12 =	simm.s32 @!p0 $0x6400;
	s31 =	sadd.s32 @!p0 $0x280, s1  }
0x46: {  	[tilespmem:s12], [sflag:$0x1] =	stream.indirect.gather @!p0 [hbm4b:s2+s0], $0x80, s31, s0, $0xb8;
	[tilespmem:$0x1A400] =	vst v63  }
0x47: {  	s12 =	simm.s32 @!p0 $0x3  }
0x48: {  	_ =	swait.ge @!p0 [sflag:s12], $0x4000  }
0x49: {  	[sflag:s12] =	ssyncset.done @!p0 $0x0  }
0x4a: {  	s31 =	simm.s32 @!p0 $0xE400;
	[sflag:s12] =	ssyncadd.s32 @!p0 $0xFFFFC000;
	s12 =	simm.s32 @!p0 $0x0  }
0x4b: {  	[hbm4b:s28+s12] =	stream.linear.scatter @!p0 [tilespmem:s31], [sflag:$0x8], $0x4000, $0x38;
	[tilespmem:$0x1A400] =	vst v63  }
0x4c: {  	s12 =	simm.s32 @!p0 $0x7  }
0x4d: {  	_ =	swait.ge @!p0 [sflag:s12], $0x4000  }
0x4e: {  	[sflag:s12] =	ssyncset.done @!p0 $0x0  }
0x4f: {  	s1 =	sadd.s32 @!p0 $0x300, s1;
	[sflag:s12] =	ssyncadd.s32 @!p0 $0xFFFFC000;
	s12 =	simm.s32 @!p0 $0xA400  }
0x50: {  	[tilespmem:s12], [sflag:$0x2] =	stream.indirect.gather @!p0 [hbm4b:s2+s0], $0x80, s1, s0, $0xb8;
	[tilespmem:$0x1A400] =	vst v63  }
.Ltmp2:
0x51: {  	_ = 	snop;
	(pc) =	sbr.rel @p0 .LBB2_4-.Ltmp2, $4  }
0x52: {  	_ =	swait.ge [sflag:s19], $0x4000  }
0x53: {  	[sflag:s19] =	ssyncset.done $0x0  }
0x54: {  	s31 =	sadd.s32 $0x1000, s28;
	s12 =	sadd.s32 $0x800, s28;
	[sflag:s19] =	ssyncadd.s32 $0xFFFFC000  }
0x55: {  	[hbm4b:s12+s3] =	stream.linear.scatter [tilespmem:s15], [sflag:$0x9], $0x4000, $0x38;
	[tilespmem:$0x1A400] =	vst v63  }
0x56: {  	_ =	swait.ge [sflag:s23], $0x4000  }
0x57: {  	[sflag:s23] =	ssyncset.done $0x0  }
0x58: {  	s0 =	sadd.s32 $0x380, s30;
	[sflag:s23] =	ssyncadd.s32 $0xFFFFC000  }
0x59: {  	[tilespmem:s13], [sflag:$0x3] =	stream.indirect.gather [hbm4b:s2+s9], $0x80, s0, s9, $0xb8;
	[tilespmem:$0x1A400] =	vst v63  }
0x5a: {  	_ =	swait.ge [sflag:s20], $0x4000  }
0x5b: {  	[sflag:s20] =	ssyncset.done $0x0  }
0x5c: {  	[sflag:s20] =	ssyncadd.s32 $0xFFFFC000  }
0x5d: {  	[hbm4b:s31+s3] =	stream.linear.scatter [tilespmem:s17], [sflag:$0xA], $0x4000, $0x38;
	[tilespmem:$0x1A400] =	vst v63  }
.Ltmp3:
0x5e: {  	_ = 	snop;
	(pc) =	sbr.rel .LBB2_2-.Ltmp3, $4  }
0x5f: {  	_ =	swait.ge [sflag:s24], $0x4000  }
0x60: {  	s29 =	sadd.s32 $0xA00, s29;
	[sflag:s24] =	ssyncset.done $0x0  }
0x61: {  	s28 =	sadd.s32 $0x2800, s28;
	s31 =	sadd.s32 $0x400, s30;
	[sflag:s24] =	ssyncadd.s32 $0xFFFFC000  }
0x62: {  	[tilespmem:s15], [sflag:$0x4] =	stream.indirect.gather [hbm4b:s2+s9], $0x80, s31, s9, $0xb8;
	[tilespmem:$0x1A400] =	vst v63  }
.LBB2_5:
0x63: {  	_ =	sfence.sel $0x180000  }
0x64: {  	[bflag:$0x0] =	sbarrier.arrive $0xFFFF  }
0x65: {  	_ =	strace $0x90000047  }
0x66: {  	s0 =	stileid.u32;
	[bflag:$0x2] =	sbarrier.arrive $0xFFFF  }
0x67: {  	p0 =	sne.s32 s0, $0x0;
	s0 =	rddreg [dreg:$0x3]  }
0x68: {  	s0 =	sadd.s32 @!p0 $0x100000, s0  }
0x69: {  	[sflag:s0] =	ssyncadd.tile.s32 @!p0 $0x1;
	_ =	shalt  }
.Lfunc_end2:
_tile_overlayer_lowered:
.L_overlay_start_2:
0x6a: {  	(tag) =	ssettag $0x2  }
0x6b: {  	s0 =	rddreg [dreg:$0x0];
	s2 =	stileid.u32  }
0x6c: {  	s1 =	rddreg [dreg:$0x1];
	p0 =	sne.s32 s2, $0x0  }
0x6d: {  	s3 =	rddreg [dreg:$0x2];
	[bflag:$0x3] =	sbarrier.arrive $0xFFFF;
	s2 =	simm.s32 @!p0 $0x1C0B  }
0x6e: {  	[timem:s3], [sflag:s2] =	dma.local @!p0 [hbm:s0], s1  }
0x6f: {  	s0 =	simm.s32 @!p0 $0xB  }
0x70: {  	_ =	swait.ge @!p0 [sflag:s0], s1  }
0x71: {  	s1 =	ssub.s32 @!p0 $0x0, s1;
	[sflag:s0] =	ssyncset.done @!p0 $0x0  }
0x72: {  	[sflag:s0] =	ssyncadd.s32 @!p0 s1  }
0x73: {  	[bflag:$0x3] =	sbarrier.arrive $0xFFFF  }
0x74: {  	_ =	shalt  }

</sc_bundles>
